<compile_context>
chip_gen: v7x
topology: tpu7x:2x2x1
jax: 0.10.2.dev20260603
libtpu: 0.0.44.dev20260713+nightly
codegen_flags: <defaults>
</compile_context>

<pallas_src>
import functools

import jax
import jax.numpy as jnp
from jax import lax
from jax.experimental import pallas as pl
from jax.experimental.pallas import tpu as pltpu
from jax.experimental.pallas import tpu_sc as plsc

_NC = 2
_NS = 16
_NW = _NC * _NS
_L = 16


def _tc_tables(n: int, x_ref, w_ref, b_ref, s_ref, xo_ref):
    x = x_ref[...]
    row = lax.broadcasted_iota(jnp.int32, (2, 1), 0)
    badd = jnp.where(row == 0, b_ref[0, 0], jnp.float32(0))
    s_ref[:, pl.ds(0, n)] = (
        lax.dot_general(
            w_ref[...],
            x,
            dimension_numbers=(((1,), (1,)), ((), ())),
            preferred_element_type=jnp.float32,
        )
        + badd
    )
    xo_ref[...] = x


_BLK = 128


def _make_sc_score(n_pad: int, n_edges: int):
    nblk = n_edges // _BLK
    lo_blk, rem = divmod(nblk, _NW)
    main_cnt = lo_blk * _BLK
    tail_base0 = _NW * main_cnt

    def _sc_score(s_hbm, edge_hbm, out_hbm, eo_hbm, ts, exy, ov, sem_i, sem_o):
        wid = lax.axis_index("s") * _NC + lax.axis_index("c")
        base = wid * main_cnt
        cp_in = pltpu.async_copy(
            edge_hbm.at[:, pl.ds(base, main_cnt)],
            exy.at[:, pl.ds(0, main_cnt)],
            sem_i,
        )
        pltpu.sync_copy(s_hbm, ts)
        cp_in.wait()
        cp_out = pltpu.async_copy(
            exy.at[:, pl.ds(0, main_cnt)],
            eo_hbm.at[:, pl.ds(base, main_cnt)],
            sem_o,
        )
        row0 = jnp.zeros((_L,), jnp.int32)
        row1 = jnp.ones((_L,), jnp.int32)

        def score(cnt, unroll):
            @plsc.parallel_loop(0, cnt, step=_L, unroll=unroll)
            def _body(off):
                ivs = exy[0, pl.ds(off, _L)]
                ivd = exy[1, pl.ds(off, _L)]
                g1 = plsc.load_gather(ts, [row0, ivs])
                g2 = plsc.load_gather(ts, [row1, ivd])
                z = g1 + g2
                ov[pl.ds(off, _L)] = 1.0 / (1.0 + jnp.exp(-z)) + 0.3

        score(main_cnt, 16)
        pltpu.sync_copy(ov.at[pl.ds(0, main_cnt)], out_hbm.at[pl.ds(base, main_cnt)])
        cp_out.wait()
        if rem:
            def tail():
                tb = tail_base0 + wid * _BLK
                pltpu.sync_copy(
                    edge_hbm.at[:, pl.ds(tb, _BLK)], exy.at[:, pl.ds(0, _BLK)]
                )
                score(_BLK, 8)
                pltpu.sync_copy(ov.at[pl.ds(0, _BLK)], out_hbm.at[pl.ds(tb, _BLK)])
                pltpu.sync_copy(
                    exy.at[:, pl.ds(0, _BLK)], eo_hbm.at[:, pl.ds(tb, _BLK)]
                )

            pl.when(wid < rem)(tail)

    sc_call = functools.partial(
        pl.kernel,
        out_type=[
            jax.ShapeDtypeStruct((n_edges,), jnp.float32),
            jax.ShapeDtypeStruct((2, n_edges), jnp.int32),
        ],
        mesh=plsc.VectorSubcoreMesh(core_axis_name="c", subcore_axis_name="s"),
        compiler_params=pltpu.CompilerParams(needs_layout_passes=False),
        scratch_types=[
            pltpu.VMEM((2, n_pad), jnp.float32),
            pltpu.VMEM((2, main_cnt), jnp.int32),
            pltpu.VMEM((main_cnt,), jnp.float32),
            pltpu.SemaphoreType.DMA,
            pltpu.SemaphoreType.DMA,
        ],
    )(_sc_score)
    return sc_call


def kernel(x, edge_index, W, b):
    n, c = x.shape
    n_edges = edge_index.shape[1]
    n_pad = -(-n // _BLK) * _BLK

    s, x_out = pl.pallas_call(
        functools.partial(_tc_tables, n),
        out_shape=[
            jax.ShapeDtypeStruct((2, n_pad), jnp.float32),
            jax.ShapeDtypeStruct(x.shape, x.dtype),
        ],
    )(x, W.reshape(2, c), b.reshape(1, 1))

    ei = edge_index if edge_index.dtype == jnp.int32 else (
        edge_index.astype(jnp.int32))
    e, e_out = _make_sc_score(n_pad, n_edges)(s, ei)
    return (x_out, e_out, e)

# --- scband reference (transcript-rebuilt; emitter-appended) ---
"""Pipeline reference for scband-edge-pooling-88553635709188 (READ-ONLY COPY).

The authoritative reference and input builder live on the scoring server;
editing this copy changes nothing except your own understanding.
"""

import jax, jax.numpy as jnp
import numpy as np

IN_CHANNELS = 128
N_NODES = 10000
N_EDGES = 320000
ADD_TO_EDGE_SCORE = 0.3

def setup_inputs(seed: int = 0) -> dict:
    key = jax.random.key(seed)
    k1, k2, k3, k4 = jax.random.split(key, 4)
    x = jax.random.normal(k1, (N_NODES, IN_CHANNELS), dtype=jnp.float32)
    edge_index = jax.random.randint(k2, (2, N_EDGES), 0, N_NODES, dtype=jnp.int64)
    # Linear(2*in_channels, 1): torch default init ~ U(-1/sqrt(fan_in), 1/sqrt(fan_in))
    bound = 1.0 / np.sqrt(2 * IN_CHANNELS)
    W = jax.random.uniform(k3, (2 * IN_CHANNELS, 1), minval=-bound, maxval=bound, dtype=jnp.float32)
    b = jax.random.uniform(k4, (1,), minval=-bound, maxval=bound, dtype=jnp.float32)
    return {"x": x, "edge_index": edge_index, "W": W, "b": b}

def reference(x, edge_index, W, b):
    # e = cat([x[src], x[dst]], dim=-1)  (gather-heavy, memory-bound)
    src_feat = jnp.take(x, edge_index[0], axis=0)
    dst_feat = jnp.take(x, edge_index[1], axis=0)
    e = jnp.concatenate([src_feat, dst_feat], axis=-1)
    # lin(e).view(-1)
    e = (e @ W + b).reshape(-1)
    # dropout is identity in eval mode (training=False)
    # compute_edge_score_sigmoid
    e = jax.nn.sigmoid(e)
    e = e + ADD_TO_EDGE_SCORE
    return (x, edge_index, e)

if __name__ == "__main__":
    import jax
    _d = setup_inputs()
    print(jax.jit(kernel)(*tuple(_d.values())))

</pallas_src>

<mosaic_0001>
#map = affine_map<(d0, d1) -> (0, 0)>
#map1 = affine_map<(d0, d1) -> (0)>
module attributes {stable_mosaic.version = 14 : i64} {
  func.func @_sc_score(%arg0: i32, %arg1: i32, %arg2: memref<2x10112xf32, #tpu.memory_space<hbm>>, %arg3: memref<2x320000xi32, #tpu.memory_space<hbm>>, %arg4: memref<320000xf32, #tpu.memory_space<hbm>>, %arg5: memref<2x320000xi32, #tpu.memory_space<hbm>>, %arg6: memref<2x10112xf32, #tpu.memory_space<vmem>>, %arg7: memref<2x9984xi32, #tpu.memory_space<vmem>>, %arg8: memref<9984xf32, #tpu.memory_space<vmem>>, %arg9: memref<!tpu.dma_semaphore, #tpu.memory_space<semaphore_mem>>, %arg10: memref<!tpu.dma_semaphore, #tpu.memory_space<semaphore_mem>>) attributes {dimension_semantics = [#tpu.dimension_semantics<core_parallel>, #tpu.dimension_semantics<subcore_parallel>], iteration_bounds = array<i64: 2, 16>, scalar_prefetch = 0 : i64, scratch_operands = 5 : i64, tpu.core_type = #tpu.core_type<sc_vector_subcore>, window_params = [{transform_indices = #map}, {transform_indices = #map}, {transform_indices = #map1}, {transform_indices = #map}]} {
    %mul3A = arith.constant 2 : i32
    %mul3A_0 = arith.muli %arg1, %mul3A : i32
    %add3A = arith.addi %mul3A_0, %arg0 : i32
    %mul3A_1 = arith.constant 9984 : i32
    %mul3A_2 = arith.muli %add3A, %mul3A_1 : i32
    %dma_start3A = arith.constant 0 : i32
    %dma_start3A_3 = arith.constant 0 : i32
    %dma_start3A_4 = tpu.memref_slice %arg7[%dma_start3A, %dma_start3A_3] : memref<2x9984xi32, #tpu.memory_space<vmem>> -> memref<2x9984xi32, #tpu.memory_space<vmem>>
    %dma_start3A_5 = arith.constant 0 : i32
    %dma_start3A_6 = tpu.memref_slice %arg3[%dma_start3A_5, %mul3A_2] : memref<2x320000xi32, #tpu.memory_space<hbm>> -> memref<2x9984xi32, #tpu.memory_space<hbm>>
    %dma_start3A_7 = arith.constant 0 : i32
    %dma_start3A_8 = arith.constant 0 : i32
    %dma_start3A_9 = tpu.memref_slice %arg7[%dma_start3A_7, %dma_start3A_8] : memref<2x9984xi32, #tpu.memory_space<vmem>> -> memref<2x9984xi32, #tpu.memory_space<vmem>>
    %dma_start3A_10 = arith.constant 0 : i32
    %dma_start3A_11 = tpu.memref_slice %arg3[%dma_start3A_10, %mul3A_2] : memref<2x320000xi32, #tpu.memory_space<hbm>> -> memref<2x9984xi32, #tpu.memory_space<hbm>>
    tpu.enqueue_dma source(%dma_start3A_11 : memref<2x9984xi32, #tpu.memory_space<hbm>>) target(%dma_start3A_9 : memref<2x9984xi32, #tpu.memory_space<vmem>>) target_semaphore(%arg9 : memref<!tpu.dma_semaphore, #tpu.memory_space<semaphore_mem>>)
    "tpu.region"() ({
      %run_scoped3A = tpu.sem_alloc : memref<!tpu.dma_semaphore, #tpu.memory_space<semaphore_mem>>
      tpu.enqueue_dma source(%arg2 : memref<2x10112xf32, #tpu.memory_space<hbm>>) target(%arg6 : memref<2x10112xf32, #tpu.memory_space<vmem>>) target_semaphore(%run_scoped3A : memref<!tpu.dma_semaphore, #tpu.memory_space<semaphore_mem>>)
      tpu.wait_dma2 semaphore(%run_scoped3A : memref<!tpu.dma_semaphore, #tpu.memory_space<semaphore_mem>>) src(%arg2 : memref<2x10112xf32, #tpu.memory_space<hbm>>) dst(%arg6 : memref<2x10112xf32, #tpu.memory_space<vmem>>)
      tpu.yield
    }) : () -> ()
    %dma_wait3A = arith.constant 0 : i32
    %dma_wait3A_12 = arith.constant 0 : i32
    %dma_wait3A_13 = tpu.memref_slice %arg7[%dma_wait3A, %dma_wait3A_12] : memref<2x9984xi32, #tpu.memory_space<vmem>> -> memref<2x9984xi32, #tpu.memory_space<vmem>>
    %dma_wait3A_14 = arith.constant 0 : i32
    %dma_wait3A_15 = tpu.memref_slice %arg3[%dma_wait3A_14, %mul3A_2] : memref<2x320000xi32, #tpu.memory_space<hbm>> -> memref<2x9984xi32, #tpu.memory_space<hbm>>
    %dma_wait3A_16 = arith.constant 0 : i32
    %dma_wait3A_17 = arith.constant 0 : i32
    %dma_wait3A_18 = tpu.memref_slice %arg7[%dma_wait3A_16, %dma_wait3A_17] : memref<2x9984xi32, #tpu.memory_space<vmem>> -> memref<2x9984xi32, #tpu.memory_space<vmem>>
    %dma_wait3A_19 = arith.constant 0 : i32
    %dma_wait3A_20 = tpu.memref_slice %arg3[%dma_wait3A_19, %mul3A_2] : memref<2x320000xi32, #tpu.memory_space<hbm>> -> memref<2x9984xi32, #tpu.memory_space<hbm>>
    tpu.wait_dma2 semaphore(%arg9 : memref<!tpu.dma_semaphore, #tpu.memory_space<semaphore_mem>>) src(%dma_wait3A_20 : memref<2x9984xi32, #tpu.memory_space<hbm>>) dst(%dma_wait3A_18 : memref<2x9984xi32, #tpu.memory_space<vmem>>)
    %dma_start3A_21 = arith.constant 0 : i32
    %dma_start3A_22 = arith.constant 0 : i32
    %dma_start3A_23 = tpu.memref_slice %arg7[%dma_start3A_21, %dma_start3A_22] : memref<2x9984xi32, #tpu.memory_space<vmem>> -> memref<2x9984xi32, #tpu.memory_space<vmem>>
    %dma_start3A_24 = arith.constant 0 : i32
    %dma_start3A_25 = tpu.memref_slice %arg5[%dma_start3A_24, %mul3A_2] : memref<2x320000xi32, #tpu.memory_space<hbm>> -> memref<2x9984xi32, #tpu.memory_space<hbm>>
    %dma_start3A_26 = arith.constant 0 : i32
    %dma_start3A_27 = tpu.memref_slice %arg5[%dma_start3A_26, %mul3A_2] : memref<2x320000xi32, #tpu.memory_space<hbm>> -> memref<2x9984xi32, #tpu.memory_space<hbm>>
    %dma_start3A_28 = arith.constant 0 : i32
    %dma_start3A_29 = arith.constant 0 : i32
    %dma_start3A_30 = tpu.memref_slice %arg7[%dma_start3A_28, %dma_start3A_29] : memref<2x9984xi32, #tpu.memory_space<vmem>> -> memref<2x9984xi32, #tpu.memory_space<vmem>>
    tpu.enqueue_dma source(%dma_start3A_30 : memref<2x9984xi32, #tpu.memory_space<vmem>>) target(%dma_start3A_27 : memref<2x9984xi32, #tpu.memory_space<hbm>>) target_semaphore(%arg10 : memref<!tpu.dma_semaphore, #tpu.memory_space<semaphore_mem>>)
    %broadcast_in_dim3A = arith.constant 0 : i32
    %broadcast_in_dim3A_31 = vector.broadcast %broadcast_in_dim3A : i32 to vector<16xi32>
    %broadcast_in_dim3A_32 = arith.constant 1 : i32
    %broadcast_in_dim3A_33 = vector.broadcast %broadcast_in_dim3A_32 : i32 to vector<16xi32>
    %parallel_loop3A = arith.constant 0 : i32
    %parallel_loop3A_34 = arith.constant 9984 : i32
    %parallel_loop3A_35 = arith.constant 16 : i32
    scf.for %parallel_loop3A_48 = %parallel_loop3A to %parallel_loop3A_34 step %parallel_loop3A_35  : i32 {
      %parallel_loop3A_49 = arith.constant 0 : i32
      %parallel_loop3A_50 = arith.index_cast %parallel_loop3A_49 : i32 to index
      %parallel_loop3A_51 = arith.index_cast %parallel_loop3A_48 : i32 to index
      %parallel_loop3A_52 = tpu.vector_load %arg7[%parallel_loop3A_50, %parallel_loop3A_51] {strides = array<i32>} : memref<2x9984xi32, #tpu.memory_space<vmem>>, vector<16xi32>,
      %parallel_loop3A_53 = arith.constant 1 : i32
      %parallel_loop3A_54 = arith.index_cast %parallel_loop3A_53 : i32 to index
      %parallel_loop3A_55 = arith.index_cast %parallel_loop3A_48 : i32 to index
      %parallel_loop3A_56 = tpu.vector_load %arg7[%parallel_loop3A_54, %parallel_loop3A_55] {strides = array<i32>} : memref<2x9984xi32, #tpu.memory_space<vmem>>, vector<16xi32>,
      %parallel_loop3A_57 = tpu.vector_load_idx %arg6[%broadcast_in_dim3A_31, %parallel_loop3A_52] : memref<2x10112xf32, #tpu.memory_space<vmem>>[vector<16xi32>, vector<16xi32>], vector<16xf32>,
      %parallel_loop3A_58 = tpu.vector_load_idx %arg6[%broadcast_in_dim3A_33, %parallel_loop3A_56] : memref<2x10112xf32, #tpu.memory_space<vmem>>[vector<16xi32>, vector<16xi32>], vector<16xf32>,
      %parallel_loop3A_59 = arith.addf %parallel_loop3A_57, %parallel_loop3A_58 : vector<16xf32>
      %parallel_loop3A_60 = arith.constant 0.000000e+00 : f32
      %parallel_loop3A_61 = vector.broadcast %parallel_loop3A_60 : f32 to vector<16xf32>
      %parallel_loop3A_62 = arith.subf %parallel_loop3A_61, %parallel_loop3A_59 : vector<16xf32>
      %parallel_loop3A_63 = math.exp %parallel_loop3A_62 : vector<16xf32>
      %parallel_loop3A_64 = arith.constant 1.000000e+00 : f32
      %parallel_loop3A_65 = vector.broadcast %parallel_loop3A_64 : f32 to vector<16xf32>
      %parallel_loop3A_66 = arith.addf %parallel_loop3A_65, %parallel_loop3A_63 : vector<16xf32>
      %parallel_loop3A_67 = arith.constant 1.000000e+00 : f32
      %parallel_loop3A_68 = vector.broadcast %parallel_loop3A_67 : f32 to vector<16xf32>
      %parallel_loop3A_69 = arith.divf %parallel_loop3A_68, %parallel_loop3A_66 : vector<16xf32>
      %parallel_loop3A_70 = arith.constant 3.000000e-01 : f32
      %parallel_loop3A_71 = vector.broadcast %parallel_loop3A_70 : f32 to vector<16xf32>
      %parallel_loop3A_72 = arith.addf %parallel_loop3A_69, %parallel_loop3A_71 : vector<16xf32>
      %parallel_loop3A_73 = arith.index_cast %parallel_loop3A_48 : i32 to index
      %parallel_loop3A_74 = tpu.vector_load %arg8[%parallel_loop3A_73] {strides = array<i32>} : memref<9984xf32, #tpu.memory_space<vmem>>, vector<16xf32>,
      tpu.vector_store %arg8[%parallel_loop3A_73], %parallel_loop3A_72 {strides = array<i32>} : memref<9984xf32, #tpu.memory_space<vmem>>, vector<16xf32>,
    } {sc.loop_unroll_factor = 16 : i64, sc.parallel_access}
    "tpu.region"() ({
      %run_scoped3A = tpu.sem_alloc : memref<!tpu.dma_semaphore, #tpu.memory_space<semaphore_mem>>
      %dma_start3A_48 = arith.constant 0 : i32
      %dma_start3A_49 = tpu.memref_slice %arg8[%dma_start3A_48] : memref<9984xf32, #tpu.memory_space<vmem>> -> memref<9984xf32, #tpu.memory_space<vmem>>
      %dma_start3A_50 = tpu.memref_slice %arg4[%mul3A_2] : memref<320000xf32, #tpu.memory_space<hbm>> -> memref<9984xf32, #tpu.memory_space<hbm>>
      %dma_start3A_51 = tpu.memref_slice %arg4[%mul3A_2] : memref<320000xf32, #tpu.memory_space<hbm>> -> memref<9984xf32, #tpu.memory_space<hbm>>
      %dma_start3A_52 = arith.constant 0 : i32
      %dma_start3A_53 = tpu.memref_slice %arg8[%dma_start3A_52] : memref<9984xf32, #tpu.memory_space<vmem>> -> memref<9984xf32, #tpu.memory_space<vmem>>
      tpu.enqueue_dma source(%dma_start3A_53 : memref<9984xf32, #tpu.memory_space<vmem>>) target(%dma_start3A_51 : memref<9984xf32, #tpu.memory_space<hbm>>) target_semaphore(%run_scoped3A : memref<!tpu.dma_semaphore, #tpu.memory_space<semaphore_mem>>)
      %dma_wait3A_54 = arith.constant 0 : i32
      %dma_wait3A_55 = tpu.memref_slice %arg8[%dma_wait3A_54] : memref<9984xf32, #tpu.memory_space<vmem>> -> memref<9984xf32, #tpu.memory_space<vmem>>
      %dma_wait3A_56 = tpu.memref_slice %arg4[%mul3A_2] : memref<320000xf32, #tpu.memory_space<hbm>> -> memref<9984xf32, #tpu.memory_space<hbm>>
      %dma_wait3A_57 = tpu.memref_slice %arg4[%mul3A_2] : memref<320000xf32, #tpu.memory_space<hbm>> -> memref<9984xf32, #tpu.memory_space<hbm>>
      %dma_wait3A_58 = arith.constant 0 : i32
      %dma_wait3A_59 = tpu.memref_slice %arg8[%dma_wait3A_58] : memref<9984xf32, #tpu.memory_space<vmem>> -> memref<9984xf32, #tpu.memory_space<vmem>>
      tpu.wait_dma2 semaphore(%run_scoped3A : memref<!tpu.dma_semaphore, #tpu.memory_space<semaphore_mem>>) src(%dma_wait3A_59 : memref<9984xf32, #tpu.memory_space<vmem>>) dst(%dma_wait3A_57 : memref<9984xf32, #tpu.memory_space<hbm>>)
      tpu.yield
    }) : () -> ()
    %dma_wait3A_36 = arith.constant 0 : i32
    %dma_wait3A_37 = arith.constant 0 : i32
    %dma_wait3A_38 = tpu.memref_slice %arg7[%dma_wait3A_36, %dma_wait3A_37] : memref<2x9984xi32, #tpu.memory_space<vmem>> -> memref<2x9984xi32, #tpu.memory_space<vmem>>
    %dma_wait3A_39 = arith.constant 0 : i32
    %dma_wait3A_40 = tpu.memref_slice %arg5[%dma_wait3A_39, %mul3A_2] : memref<2x320000xi32, #tpu.memory_space<hbm>> -> memref<2x9984xi32, #tpu.memory_space<hbm>>
    %dma_wait3A_41 = arith.constant 0 : i32
    %dma_wait3A_42 = tpu.memref_slice %arg5[%dma_wait3A_41, %mul3A_2] : memref<2x320000xi32, #tpu.memory_space<hbm>> -> memref<2x9984xi32, #tpu.memory_space<hbm>>
    %dma_wait3A_43 = arith.constant 0 : i32
    %dma_wait3A_44 = arith.constant 0 : i32
    %dma_wait3A_45 = tpu.memref_slice %arg7[%dma_wait3A_43, %dma_wait3A_44] : memref<2x9984xi32, #tpu.memory_space<vmem>> -> memref<2x9984xi32, #tpu.memory_space<vmem>>
    tpu.wait_dma2 semaphore(%arg10 : memref<!tpu.dma_semaphore, #tpu.memory_space<semaphore_mem>>) src(%dma_wait3A_45 : memref<2x9984xi32, #tpu.memory_space<vmem>>) dst(%dma_wait3A_42 : memref<2x9984xi32, #tpu.memory_space<hbm>>)
    %lt3A = arith.constant 4 : i32
    %lt3A_46 = arith.cmpi slt, %add3A, %lt3A : i32
    %convert_element_type3A = arith.extui %lt3A_46 : i1 to i32
    %cond3A = arith.constant 0 : i32
    %cond3A_47 = arith.cmpi ne, %convert_element_type3A, %cond3A : i32
    scf.if %cond3A_47 {
      %mul3A_48 = arith.constant 128 : i32
      %mul3A_49 = arith.muli %add3A, %mul3A_48 : i32
      %add3A_50 = arith.constant 319488 : i32
      %add3A_51 = arith.addi %add3A_50, %mul3A_49 : i32
      "tpu.region"() ({
        %run_scoped3A = tpu.sem_alloc : memref<!tpu.dma_semaphore, #tpu.memory_space<semaphore_mem>>
        %dma_start3A_55 = arith.constant 0 : i32
        %dma_start3A_56 = arith.constant 0 : i32
        %dma_start3A_57 = tpu.memref_slice %arg7[%dma_start3A_55, %dma_start3A_56] : memref<2x9984xi32, #tpu.memory_space<vmem>> -> memref<2x128xi32, #tpu.memory_space<vmem>>
        %dma_start3A_58 = arith.constant 0 : i32
        %dma_start3A_59 = tpu.memref_slice %arg3[%dma_start3A_58, %add3A_51] : memref<2x320000xi32, #tpu.memory_space<hbm>> -> memref<2x128xi32, #tpu.memory_space<hbm>>
        %dma_start3A_60 = arith.constant 0 : i32
        %dma_start3A_61 = arith.constant 0 : i32
        %dma_start3A_62 = tpu.memref_slice %arg7[%dma_start3A_60, %dma_start3A_61] : memref<2x9984xi32, #tpu.memory_space<vmem>> -> memref<2x128xi32, #tpu.memory_space<vmem>>
        %dma_start3A_63 = arith.constant 0 : i32
        %dma_start3A_64 = tpu.memref_slice %arg3[%dma_start3A_63, %add3A_51] : memref<2x320000xi32, #tpu.memory_space<hbm>> -> memref<2x128xi32, #tpu.memory_space<hbm>>
        tpu.enqueue_dma source(%dma_start3A_64 : memref<2x128xi32, #tpu.memory_space<hbm>>) target(%dma_start3A_62 : memref<2x128xi32, #tpu.memory_space<vmem>>) target_semaphore(%run_scoped3A : memref<!tpu.dma_semaphore, #tpu.memory_space<semaphore_mem>>)
        %dma_wait3A_65 = arith.constant 0 : i32
        %dma_wait3A_66 = arith.constant 0 : i32
        %dma_wait3A_67 = tpu.memref_slice %arg7[%dma_wait3A_65, %dma_wait3A_66] : memref<2x9984xi32, #tpu.memory_space<vmem>> -> memref<2x128xi32, #tpu.memory_space<vmem>>
        %dma_wait3A_68 = arith.constant 0 : i32
        %dma_wait3A_69 = tpu.memref_slice %arg3[%dma_wait3A_68, %add3A_51] : memref<2x320000xi32, #tpu.memory_space<hbm>> -> memref<2x128xi32, #tpu.memory_space<hbm>>
        %dma_wait3A_70 = arith.constant 0 : i32
        %dma_wait3A_71 = arith.constant 0 : i32
        %dma_wait3A_72 = tpu.memref_slice %arg7[%dma_wait3A_70, %dma_wait3A_71] : memref<2x9984xi32, #tpu.memory_space<vmem>> -> memref<2x128xi32, #tpu.memory_space<vmem>>
        %dma_wait3A_73 = arith.constant 0 : i32
        %dma_wait3A_74 = tpu.memref_slice %arg3[%dma_wait3A_73, %add3A_51] : memref<2x320000xi32, #tpu.memory_space<hbm>> -> memref<2x128xi32, #tpu.memory_space<hbm>>
        tpu.wait_dma2 semaphore(%run_scoped3A : memref<!tpu.dma_semaphore, #tpu.memory_space<semaphore_mem>>) src(%dma_wait3A_74 : memref<2x128xi32, #tpu.memory_space<hbm>>) dst(%dma_wait3A_72 : memref<2x128xi32, #tpu.memory_space<vmem>>)
        tpu.yield
      }) : () -> ()
      %parallel_loop3A_52 = arith.constant 0 : i32
      %parallel_loop3A_53 = arith.constant 128 : i32
      %parallel_loop3A_54 = arith.constant 16 : i32
      scf.for %parallel_loop3A_55 = %parallel_loop3A_52 to %parallel_loop3A_53 step %parallel_loop3A_54  : i32 {
        %parallel_loop3A_56 = arith.constant 0 : i32
        %parallel_loop3A_57 = arith.index_cast %parallel_loop3A_56 : i32 to index
        %parallel_loop3A_58 = arith.index_cast %parallel_loop3A_55 : i32 to index
        %parallel_loop3A_59 = tpu.vector_load %arg7[%parallel_loop3A_57, %parallel_loop3A_58] {strides = array<i32>} : memref<2x9984xi32, #tpu.memory_space<vmem>>, vector<16xi32>,
        %parallel_loop3A_60 = arith.constant 1 : i32
        %parallel_loop3A_61 = arith.index_cast %parallel_loop3A_60 : i32 to index
        %parallel_loop3A_62 = arith.index_cast %parallel_loop3A_55 : i32 to index
        %parallel_loop3A_63 = tpu.vector_load %arg7[%parallel_loop3A_61, %parallel_loop3A_62] {strides = array<i32>} : memref<2x9984xi32, #tpu.memory_space<vmem>>, vector<16xi32>,
        %parallel_loop3A_64 = tpu.vector_load_idx %arg6[%broadcast_in_dim3A_31, %parallel_loop3A_59] : memref<2x10112xf32, #tpu.memory_space<vmem>>[vector<16xi32>, vector<16xi32>], vector<16xf32>,
        %parallel_loop3A_65 = tpu.vector_load_idx %arg6[%broadcast_in_dim3A_33, %parallel_loop3A_63] : memref<2x10112xf32, #tpu.memory_space<vmem>>[vector<16xi32>, vector<16xi32>], vector<16xf32>,
        %parallel_loop3A_66 = arith.addf %parallel_loop3A_64, %parallel_loop3A_65 : vector<16xf32>
        %parallel_loop3A_67 = arith.constant 0.000000e+00 : f32
        %parallel_loop3A_68 = vector.broadcast %parallel_loop3A_67 : f32 to vector<16xf32>
        %parallel_loop3A_69 = arith.subf %parallel_loop3A_68, %parallel_loop3A_66 : vector<16xf32>
        %parallel_loop3A_70 = math.exp %parallel_loop3A_69 : vector<16xf32>
        %parallel_loop3A_71 = arith.constant 1.000000e+00 : f32
        %parallel_loop3A_72 = vector.broadcast %parallel_loop3A_71 : f32 to vector<16xf32>
        %parallel_loop3A_73 = arith.addf %parallel_loop3A_72, %parallel_loop3A_70 : vector<16xf32>
        %parallel_loop3A_74 = arith.constant 1.000000e+00 : f32
        %parallel_loop3A_75 = vector.broadcast %parallel_loop3A_74 : f32 to vector<16xf32>
        %parallel_loop3A_76 = arith.divf %parallel_loop3A_75, %parallel_loop3A_73 : vector<16xf32>
        %parallel_loop3A_77 = arith.constant 3.000000e-01 : f32
        %parallel_loop3A_78 = vector.broadcast %parallel_loop3A_77 : f32 to vector<16xf32>
        %parallel_loop3A_79 = arith.addf %parallel_loop3A_76, %parallel_loop3A_78 : vector<16xf32>
        %parallel_loop3A_80 = arith.index_cast %parallel_loop3A_55 : i32 to index
        %parallel_loop3A_81 = tpu.vector_load %arg8[%parallel_loop3A_80] {strides = array<i32>} : memref<9984xf32, #tpu.memory_space<vmem>>, vector<16xf32>,
        tpu.vector_store %arg8[%parallel_loop3A_80], %parallel_loop3A_79 {strides = array<i32>} : memref<9984xf32, #tpu.memory_space<vmem>>, vector<16xf32>,
      } {sc.loop_unroll_factor = 8 : i64, sc.parallel_access}
      "tpu.region"() ({
        %run_scoped3A = tpu.sem_alloc : memref<!tpu.dma_semaphore, #tpu.memory_space<semaphore_mem>>
        %dma_start3A_55 = arith.constant 0 : i32
        %dma_start3A_56 = tpu.memref_slice %arg8[%dma_start3A_55] : memref<9984xf32, #tpu.memory_space<vmem>> -> memref<128xf32, #tpu.memory_space<vmem>>
        %dma_start3A_57 = tpu.memref_slice %arg4[%add3A_51] : memref<320000xf32, #tpu.memory_space<hbm>> -> memref<128xf32, #tpu.memory_space<hbm>>
        %dma_start3A_58 = tpu.memref_slice %arg4[%add3A_51] : memref<320000xf32, #tpu.memory_space<hbm>> -> memref<128xf32, #tpu.memory_space<hbm>>
        %dma_start3A_59 = arith.constant 0 : i32
        %dma_start3A_60 = tpu.memref_slice %arg8[%dma_start3A_59] : memref<9984xf32, #tpu.memory_space<vmem>> -> memref<128xf32, #tpu.memory_space<vmem>>
        tpu.enqueue_dma source(%dma_start3A_60 : memref<128xf32, #tpu.memory_space<vmem>>) target(%dma_start3A_58 : memref<128xf32, #tpu.memory_space<hbm>>) target_semaphore(%run_scoped3A : memref<!tpu.dma_semaphore, #tpu.memory_space<semaphore_mem>>)
        %dma_wait3A_61 = arith.constant 0 : i32
        %dma_wait3A_62 = tpu.memref_slice %arg8[%dma_wait3A_61] : memref<9984xf32, #tpu.memory_space<vmem>> -> memref<128xf32, #tpu.memory_space<vmem>>
        %dma_wait3A_63 = tpu.memref_slice %arg4[%add3A_51] : memref<320000xf32, #tpu.memory_space<hbm>> -> memref<128xf32, #tpu.memory_space<hbm>>
        %dma_wait3A_64 = tpu.memref_slice %arg4[%add3A_51] : memref<320000xf32, #tpu.memory_space<hbm>> -> memref<128xf32, #tpu.memory_space<hbm>>
        %dma_wait3A_65 = arith.constant 0 : i32
        %dma_wait3A_66 = tpu.memref_slice %arg8[%dma_wait3A_65] : memref<9984xf32, #tpu.memory_space<vmem>> -> memref<128xf32, #tpu.memory_space<vmem>>
        tpu.wait_dma2 semaphore(%run_scoped3A : memref<!tpu.dma_semaphore, #tpu.memory_space<semaphore_mem>>) src(%dma_wait3A_66 : memref<128xf32, #tpu.memory_space<vmem>>) dst(%dma_wait3A_64 : memref<128xf32, #tpu.memory_space<hbm>>)
        tpu.yield
      }) : () -> ()
      "tpu.region"() ({
        %run_scoped3A = tpu.sem_alloc : memref<!tpu.dma_semaphore, #tpu.memory_space<semaphore_mem>>
        %dma_start3A_55 = arith.constant 0 : i32
        %dma_start3A_56 = arith.constant 0 : i32
        %dma_start3A_57 = tpu.memref_slice %arg7[%dma_start3A_55, %dma_start3A_56] : memref<2x9984xi32, #tpu.memory_space<vmem>> -> memref<2x128xi32, #tpu.memory_space<vmem>>
        %dma_start3A_58 = arith.constant 0 : i32
        %dma_start3A_59 = tpu.memref_slice %arg5[%dma_start3A_58, %add3A_51] : memref<2x320000xi32, #tpu.memory_space<hbm>> -> memref<2x128xi32, #tpu.memory_space<hbm>>
        %dma_start3A_60 = arith.constant 0 : i32
        %dma_start3A_61 = tpu.memref_slice %arg5[%dma_start3A_60, %add3A_51] : memref<2x320000xi32, #tpu.memory_space<hbm>> -> memref<2x128xi32, #tpu.memory_space<hbm>>
        %dma_start3A_62 = arith.constant 0 : i32
        %dma_start3A_63 = arith.constant 0 : i32
        %dma_start3A_64 = tpu.memref_slice %arg7[%dma_start3A_62, %dma_start3A_63] : memref<2x9984xi32, #tpu.memory_space<vmem>> -> memref<2x128xi32, #tpu.memory_space<vmem>>
        tpu.enqueue_dma source(%dma_start3A_64 : memref<2x128xi32, #tpu.memory_space<vmem>>) target(%dma_start3A_61 : memref<2x128xi32, #tpu.memory_space<hbm>>) target_semaphore(%run_scoped3A : memref<!tpu.dma_semaphore, #tpu.memory_space<semaphore_mem>>)
        %dma_wait3A_65 = arith.constant 0 : i32
        %dma_wait3A_66 = arith.constant 0 : i32
        %dma_wait3A_67 = tpu.memref_slice %arg7[%dma_wait3A_65, %dma_wait3A_66] : memref<2x9984xi32, #tpu.memory_space<vmem>> -> memref<2x128xi32, #tpu.memory_space<vmem>>
        %dma_wait3A_68 = arith.constant 0 : i32
        %dma_wait3A_69 = tpu.memref_slice %arg5[%dma_wait3A_68, %add3A_51] : memref<2x320000xi32, #tpu.memory_space<hbm>> -> memref<2x128xi32, #tpu.memory_space<hbm>>
        %dma_wait3A_70 = arith.constant 0 : i32
        %dma_wait3A_71 = tpu.memref_slice %arg5[%dma_wait3A_70, %add3A_51] : memref<2x320000xi32, #tpu.memory_space<hbm>> -> memref<2x128xi32, #tpu.memory_space<hbm>>
        %dma_wait3A_72 = arith.constant 0 : i32
        %dma_wait3A_73 = arith.constant 0 : i32
        %dma_wait3A_74 = tpu.memref_slice %arg7[%dma_wait3A_72, %dma_wait3A_73] : memref<2x9984xi32, #tpu.memory_space<vmem>> -> memref<2x128xi32, #tpu.memory_space<vmem>>
        tpu.wait_dma2 semaphore(%run_scoped3A : memref<!tpu.dma_semaphore, #tpu.memory_space<semaphore_mem>>) src(%dma_wait3A_74 : memref<2x128xi32, #tpu.memory_space<vmem>>) dst(%dma_wait3A_71 : memref<2x128xi32, #tpu.memory_space<hbm>>)
        tpu.yield
      }) : () -> ()
    } else {
    }
    return
  }
}

module attributes {stable_mosaic.version = 14 : i64} {
  func.func @_tc_tables(%arg0: memref<10000x128xf32, #tpu.memory_space<vmem>>, %arg1: memref<2x128xf32, #tpu.memory_space<vmem>>, %arg2: memref<1x1xf32, #tpu.memory_space<vmem>>, %arg3: memref<2x10112xf32, #tpu.memory_space<vmem>>, %arg4: memref<10000x128xf32, #tpu.memory_space<vmem>>) attributes {dimension_semantics = [], scalar_prefetch = 0 : i64, scratch_operands = 0 : i64, tpu.core_type = #tpu.core_type<tc>} {
    %get3A = arith.constant 0 : index
    %get3A_0 = arith.constant 0 : index
    %get3A_1 = vector.load %arg0[%get3A, %get3A_0] : memref<10000x128xf32, #tpu.memory_space<vmem>>, vector<10000x128xf32>
    %iota3A = tpu.iota {dimensions = array<i32: 0>} : vector<2x1xi32>
    %eq3A = arith.constant 0 : i32
    %eq3A_2 = vector.broadcast %eq3A : i32 to vector<2x1xi32>
    %eq3A_3 = arith.cmpi eq, %iota3A, %eq3A_2 : vector<2x1xi32>
    %get3A_4 = arith.constant 0 : index
    %get3A_5 = arith.constant 0 : index
    %get3A_6 = vector.load %arg2[%get3A_4, %get3A_5] : memref<1x1xf32, #tpu.memory_space<vmem>>, vector<1x1xf32>
    %get3A_7 = vector.extract %get3A_6[0, 0] : f32 from vector<1x1xf32>
    %jit3A = arith.constant 0.000000e+00 : f32
    %broadcast_in_dim3A = vector.broadcast %get3A_7 : f32 to vector<2x1xf32>
    %broadcast_in_dim3A_8 = vector.broadcast %jit3A : f32 to vector<2x1xf32>
    %select_n3A = arith.select %eq3A_3, %broadcast_in_dim3A, %broadcast_in_dim3A_8 : vector<2x1xi1>, vector<2x1xf32>
    %get3A_9 = arith.constant 0 : index
    %get3A_10 = arith.constant 0 : index
    %get3A_11 = vector.load %arg1[%get3A_9, %get3A_10] : memref<2x128xf32, #tpu.memory_space<vmem>>, vector<2x128xf32>
    %dot_general3A = arith.constant dense<0.000000e+00> : vector<2x10000xf32>
    %dot_general3A_12 = tpu.matmul %get3A_11, %get3A_1, %dot_general3A {dimension_numbers = #tpu.dot_dimension_numbers<[1], [1], [0], [0], [0, 0, 1, 0], [], []>, transpose_lhs_hint = false} : vector<2x128xf32>, vector<10000x128xf32>, vector<2x10000xf32> -> vector<2x10000xf32>
    %add3A = vector.broadcast %select_n3A : vector<2x1xf32> to vector<2x10000xf32>
    %add3A_13 = arith.addf %dot_general3A_12, %add3A : vector<2x10000xf32>
    %swap3A = arith.constant 0 : index
    %swap3A_14 = arith.constant 0 : index
    %swap3A_15 = vector.load %arg3[%swap3A, %swap3A_14] : memref<2x10112xf32, #tpu.memory_space<vmem>>, vector<2x10000xf32>
    tpu.vector_store %arg3[%swap3A, %swap3A_14], %add3A_13 {strides = array<i32>} : memref<2x10112xf32, #tpu.memory_space<vmem>>, vector<2x10000xf32>,
    %swap3A_16 = arith.constant 0 : index
    %swap3A_17 = arith.constant 0 : index
    %swap3A_18 = vector.load %arg4[%swap3A_16, %swap3A_17] : memref<10000x128xf32, #tpu.memory_space<vmem>>, vector<10000x128xf32>
    tpu.vector_store %arg4[%swap3A_16, %swap3A_17], %get3A_1 {strides = array<i32>} : memref<10000x128xf32, #tpu.memory_space<vmem>>, vector<10000x128xf32>,
    return
  }
}

</mosaic_0001>

<sc_bundles>
// kernel: kernel.4.cloned.1.call-start
scs
__scs_entry_jumppad:
0x0: {  	(pc) =	sbr.rel $0x88, $3  }
0x1: {  	(tag) =	ssettag $0x0;
	lr =	simm.s32 $0x1  }
0x2: {  	[smem:$0x3F9D] =	sst lr;
	_ =	strace $0xD0000000  }
0x3: {  	_ = 	snop  }
0x4: {  	_ = 	snop  }
0x5: {  	_ = 	snop  }
0x6: {  	_ = 	snop  }
0x7: {  	_ = 	snop  }
__scs_overlays_trampoline_lowered:
0x8: {  	[smem:$0x3FAC] =	sst s0  }
0x9: {  	[smem:$0x3FAD] =	sst s1  }
0xa: {  	[smem:$0x3FAE] =	sst s2  }
0xb: {  	[smem:$0x3FAF] =	sst s3  }
0xc: {  	[smem:$0x3FB0] =	sst s4  }
0xd: {  	[smem:$0x3FB1] =	sst s5  }
0xe: {  	[smem:$0x3FB2] =	sst s6  }
0xf: {  	[smem:$0x3FB3] =	sst s7  }
0x10: {  	[smem:$0x3FB4] =	sst s8  }
0x11: {  	[smem:$0x3FB5] =	sst s9;
	s0 =	simm.s32 @!p0 $0x0  }
0x12: {  	s1 =	sld [smem:$0x3F9B];
	s0 =	simm.s32 @p0 $0x1  }
0x13: {  	[smem:$0x3FB6] =	sst s0;
	s0 =	simm.s32 @!p1 $0x0  }
0x14: {  	s2 =	sld [smem:$0x3F9A];
	s0 =	simm.s32 @p1 $0x1  }
0x15: {  	[smem:$0x3FB7] =	sst s0;
	s0 =	simm.s32 @!p2 $0x0  }
0x16: {  	s3 =	sld [smem:$0x3FDB];
	s0 =	simm.s32 @p2 $0x1  }
0x17: {  	s4 =	simm.s32 $0x1BF5;
	[smem:$0x3FB9] =	sst s0  }
0x18: {  	s0 =	sld [smem:$0x3F9C];
	_ =	swait.ge [sflag:s4], $0x0  }
0x19: {  	s7 =	sld [smem:$0x3F9D]  }
0x1a: {  	s8 =	sadd.s32 $0xFFFFE003, lr  }
0x1b: {  	s9 =	sadd.s32 $0xFFFFFEF7, lr;
	s5 =	simm.s32 $0xFFFFFFFF;
	p2 =	slt.u32 s8, $0xFFFFF086  }
0x1c: {  	p1 =	slt.u32 s9, $0xF7A;
	s5 =	simm.s32 @!p2 $0x0  }
0x1d: {  	s5 =	simm.s32 @p1 $0x1;
	p0 =	seq.s32 s7, s2  }
0x1e: {  	s7 =	smul.u32 @!p0 $0xF7A, s2;
	p2 =	seq.s32 @!p0 s5, $0x0  }
0x1f: {  	s9 =	smul.u32 $0xF7A, s1;
	s8 =	simm.s32 @!p0 $0x1BF5;
	p2 =	por !p2, p0  }
0x20: {  	[sflag:s8] =	ssyncset.s32 @!p0 $0xFFFFF086;
	s6 =	sadd.s32 @!p0 s3, s7;
	s7 =	simm.s32 @!p0 $0x108  }
0x21: {  	s3 =	sadd.s32 s3, s9;
	s6 =	sadd.s32 @!p0 $0x88, s6;
	s7 =	simm.s32 @p2 $0x1082  }
0x22: {  	[simem:s7], [sflag:s8] =	dma.local @!p0 [hbm:s6], $0xF7A  }
0x23: {  	s9 =	sor.u32 $0xD0000000, s2;
	s6 =	simm.s32 $0x108;
	_ =	swait.ge @!p0 [sflag:s8], $0x0  }
0x24: {  	s3 =	sadd.s32 $0x88, s3;
	s6 =	simm.s32 @!p1 $0x1082;
	[sflag:s4] =	ssyncset.s32 $0xFFFFF086  }
0x25: {  	[simem:s6], [sflag:s4] =	dma.local [hbm:s3], $0xF7A  }
0x26: {  	[smem:$0x3F9D] =	sst s1;
	(tag) =	ssettag s2;
	_ =	strace s9  }
0x27: {  	s1 =	sld [smem:$0x3FAD]  }
0x28: {  	s2 =	sld [smem:$0x3FAE]  }
0x29: {  	s4 =	sld [smem:$0x3FB0]  }
0x2a: {  	p0 =	seq.s32 s5, $0x0;
	s5 =	sld [smem:$0x3FB1]  }
0x2b: {  	s6 =	sld [smem:$0x3FB2]  }
0x2c: {  	s7 =	sld [smem:$0x3FB3]  }
0x2d: {  	s3 =	simm.s32 $0x108;
	s8 =	sld [smem:$0x3FB4]  }
0x2e: {  	s3 =	simm.s32 @!p0 $0x1082;
	s9 =	sld [smem:$0x3FB5]  }
0x2f: {  	lr =	sadd.s32 s0, s3;
	s0 =	sld [smem:$0x3FAC]  }
0x30: {  	s3 =	sld [smem:$0x3FAF]  }
0x31: {  	[smem:$0x3FB8] =	sst s10  }
0x32: {  	s10 =	sld [smem:$0x3FB6];
	_ =	sdelay $0x3  }
0x33: {  	p0 =	seq.s32 s10, $0x1;
	s10 =	sld [smem:$0x3FB8];
	_ =	sdelay $0x3  }
0x34: {  	[smem:$0x3FB8] =	sst s10  }
0x35: {  	s10 =	sld [smem:$0x3FB7];
	_ =	sdelay $0x3  }
0x36: {  	p1 =	seq.s32 s10, $0x1;
	s10 =	sld [smem:$0x3FB8];
	_ =	sdelay $0x3  }
0x37: {  	[smem:$0x3FB8] =	sst s10  }
0x38: {  	s10 =	sld [smem:$0x3FB9]  }
0x39: {  	_ = 	snop;
	(pc) =	sbr.ind lr, $3  }
0x3a: {  	_ = 	snop  }
0x3b: {  	_ = 	snop  }
0x3c: {  	p2 =	seq.s32 s10, $0x1;
	s10 =	sld [smem:$0x3FB8]  }
0x3d: {  	_ =	shalt  }
0x3e: {  	_ =	shalt  }
0x3f: {  	_ =	shalt  }
0x40: {  	_ =	shalt  }
0x41: {  	_ =	shalt  }
0x42: {  	_ =	shalt  }
0x43: {  	_ =	shalt  }
0x44: {  	_ =	shalt  }
0x45: {  	_ =	shalt  }
0x46: {  	_ =	shalt  }
0x47: {  	_ =	shalt  }
0x48: {  	_ =	shalt  }
0x49: {  	_ =	shalt  }
0x4a: {  	_ =	shalt  }
0x4b: {  	_ =	shalt  }
0x4c: {  	_ =	shalt  }
0x4d: {  	_ =	shalt  }
0x4e: {  	_ =	shalt  }
0x4f: {  	_ =	shalt  }
0x50: {  	_ =	shalt  }
0x51: {  	_ =	shalt  }
0x52: {  	_ =	shalt  }
0x53: {  	_ =	shalt  }
0x54: {  	_ =	shalt  }
0x55: {  	_ =	shalt  }
0x56: {  	_ =	shalt  }
0x57: {  	_ =	shalt  }
0x58: {  	_ =	shalt  }
0x59: {  	_ =	shalt  }
0x5a: {  	_ =	shalt  }
0x5b: {  	_ =	shalt  }
0x5c: {  	_ =	shalt  }
0x5d: {  	_ =	shalt  }
0x5e: {  	_ =	shalt  }
0x5f: {  	_ =	shalt  }
0x60: {  	_ =	shalt  }
0x61: {  	_ =	shalt  }
0x62: {  	_ =	shalt  }
0x63: {  	_ =	shalt  }
0x64: {  	_ =	shalt  }
0x65: {  	_ =	shalt  }
0x66: {  	_ =	shalt  }
0x67: {  	_ =	shalt  }
0x68: {  	_ =	shalt  }
0x69: {  	_ =	shalt  }
0x6a: {  	_ =	shalt  }
0x6b: {  	_ =	shalt  }
0x6c: {  	_ =	shalt  }
0x6d: {  	_ =	shalt  }
0x6e: {  	_ =	shalt  }
0x6f: {  	_ =	shalt  }
0x70: {  	_ =	shalt  }
0x71: {  	_ =	shalt  }
0x72: {  	_ =	shalt  }
0x73: {  	_ =	shalt  }
0x74: {  	_ =	shalt  }
0x75: {  	_ =	shalt  }
0x76: {  	_ =	shalt  }
0x77: {  	_ =	shalt  }
0x78: {  	_ =	shalt  }
0x79: {  	_ =	shalt  }
0x7a: {  	_ =	shalt  }
0x7b: {  	_ =	shalt  }
0x7c: {  	_ =	shalt  }
0x7d: {  	_ =	shalt  }
0x7e: {  	_ =	shalt  }
0x7f: {  	_ =	shalt  }
0x80: {  	_ =	shalt  }
0x81: {  	_ =	shalt  }
0x82: {  	_ =	shalt  }
0x83: {  	_ =	shalt  }
0x84: {  	_ =	shalt  }
0x85: {  	_ =	shalt  }
0x86: {  	_ =	shalt  }
0x87: {  	_ =	shalt  }
.Lfunc_end0:
.L_simem_size_0:
called_computation_lowered:
.L_overlay_start_0:
0x88: {  	s2 =	sld [smem:$0x3FD9]  }
0x89: {  	s3 =	sld [smem:$0x3FFE];
	_ =	sdelay $0x1  }
0x8a: {  	s1 =	srdreg.scid  }
0x8b: {  	s0 =	sand.u32 $0x1, s1  }
0x8c: {  	s14 =	sshll.u32 s0, $0xA;
	s2 =	sadd.s32 s3, s2  }
0x8d: {  	s2 =	sadd.s32 s2, s14  }
0x8e: {  	[smem:$0x3FC4] =	sst s2  }
0x8f: {  	_ = 	snop  }
0x90: {  	s2 =	sld [smem:$0x3FD0];
	_ =	sdelay $0x2  }
0x91: {  	s4 =	simm.s32 $0xA;
	s5 =	simm.s32 $0x10;
	s15 =	sld [smem:$0x3FC8]  }
0x92: {  	[smem:s5], [sflag:s4] =	dma.local [hbm:s2], $0x1  }
0x93: {  	_ =	swait.eq [sflag:s4], $0x1  }
0x94: {  	[sflag:s4] =	ssyncset.done $0x0  }
0x95: {  	s16 =	sld [smem:$0x11];
	[sflag:s4] =	ssyncadd.s32 $0xFFFFFFFF  }
0x96: {  	s17 =	sld [smem:$0x12];
	(tm) =	ssettm $0x1  }
0x97: {  	s18 =	sld [smem:$0x3FFB];
	_ =	sdelay $0x3  }
0x98: {  	_ =	strace s18  }
0x99: {  	s5 =	sld [smem:$0x3FFC];
	_ =	sdelay $0x3  }
0x9a: {  	_ =	strace s5  }
0x9b: {  	s5 =	sld [smem:$0x3FFD];
	_ =	sdelay $0x3  }
0x9c: {  	_ =	strace s5  }
0x9d: {  	_ =	strace $0x8FFFFFFF  }
0x9e: {  	s19 =	sld [smem:$0x3FDB];
	_ =	sdelay $0x1  }
0x9f: {  	s6 =	simm.s32 $_scs_section_size  }
0xa0: {  	s7 =	simm.s32 $_size__tile_overlayer_lowered;
	s8 =	simm.s32 $_tile_overlayer_lowered  }
0xa1: {  	s22 =	simm.s32 $0x1BFF;
	s21 =	sshll.u32 s8, $0x1;
	s5 =	sadd.s32 s6, s19  }
0xa2: {  	s9 =	simm.s32 $0x0;
	s20 =	sshll.u32 s7, $0x1;
	s7 =	sadd.s32 s21, s5  }
0xa3: {  	[timem:s9], [sflag:s22] =	dma.local [hbm:s7], s20  }
0xa4: {  	_ =	swait.ge [sflag:s22], s20  }
0xa5: {  	s6 =	ssub.s32 $0x0, s20;
	[sflag:s22] =	ssyncset.done $0x0  }
0xa6: {  	[sflag:s22] =	ssyncadd.s32 s6;
	_ =	sdelay $0x1  }
0xa7: {  	s23 =	simm.s32 $0x1B8B  }
0xa8: {  	_ =	swait.ge [sflag:s23], $0x1  }
0xa9: {  	[sflag:s23] =	ssyncset.done $0x0  }
0xaa: {  	s25 =	simm.s32 $0x1B8E;
	s24 =	sld [smem:$0x3FFE];
	[sflag:s23] =	ssyncadd.s32 $0xFFFFFFFF  }
0xab: {  	s26 =	simm.s32 $execute0_lowered;
	[smem:$0x3FD2] =	sst s25  }
0xac: {  	s7 =	sshll.u32 s26, $0x1;
	_ =	strace $0x80000046;
	[dreg:$0x1] =	wrdreg $0xFFFFFFFF  }
0xad: {  	s28 =	simm.s32 $_size_execute0_lowered;
	s5 =	sadd.s32 s5, s7;
	[dreg:$0x0] =	wrdreg $0x0  }
0xae: {  	s7 =	sshll.u32 s28, $0x1;
	[dreg:$0x2] =	wrdreg s5  }
0xaf: {  	[dreg:$0x3] =	wrdreg s7  }
0xb0: {  	[dreg:$0x4] =	wrdreg $0xC0  }
0xb1: {  	_ =	task [dreg:s9], $0x5FFFF  }
0xb2: {  	[dreg:$0x1] =	wrdreg $0xFFFFFFFF  }
0xb3: {  	[dreg:$0x0] =	wrdreg $0x60  }
0xb4: {  	[dreg:$0x2] =	wrdreg s24  }
0xb5: {  	[dreg:$0x3] =	wrdreg s15  }
0xb6: {  	[dreg:$0x4] =	wrdreg s17  }
0xb7: {  	[dreg:$0x5] =	wrdreg s16  }
0xb8: {  	[dreg:$0x6] =	wrdreg $0x9  }
0xb9: {  	_ =	task.clear_ibuf [dreg:s9], $0x7FFFF;
	_ =	strace $0x90000046  }
0xba: {  	s29 =	simm.s32 $0x9;
	_ =	strace $0x80000048  }
0xbb: {  	_ =	swait.ge [sflag:s29], $0x1  }
0xbc: {  	[sflag:s29] =	ssyncadd.s32 $0xFFFFFFFF  }
0xbd: {  	_ =	strace $0x90000048  }
0xbe: {  	_ =	sfence  }
0xbf: {  	s30 =	sld [smem:$0x0];
	_ =	sdelay $0x2  }
0xc0: {  	s31 =	sshll.u32 s1, $0xD;
	s1 =	sshrl.u32 s1, $0x2  }
0xc1: {  	s3 =	sand.u32 $0x4000, s31;
	s1 =	sadd.s32 s1, s30  }
0xc2: {  	s0 =	sor.u32 s3, s0;
	s1 =	sshll.u32 s1, $0x11  }
0xc3: {  	s0 =	sor.u32 s1, s0  }
0xc4: {  	s0 =	sadd.s32 $0x8F2B, s0  }
0xc5: {  	[sflag:s0] =	ssyncadd.remote.s32 $0x1  }
0xc6: {  	_ =	sfence.sel $0xFFFF  }
0xc7: {  	[dreg:$0x0] =	wrdreg $0xFFFFFFFF;
	(pc) =	sbr.abs _section_cstart, $3  }
0xc8: {  	[dreg:$0x1] =	wrdreg $0xFFFFFFFF  }
0xc9: {  	_ =	task.clear_ibuf [dreg:s9], $0x2FFFF;
	_ =	strace $0x9FFFFFFF  }
0xca: {  	(tm) =	ssettm $0x7FFFFFFF  }
0xcb: {  	_ =	shalt  }
tec
execute0_lowered:
.L_overlay_start_1:
0x0: {  	(tag) =	ssettag $0x1  }
0x1: {  	s3 =	rddreg [dreg:$0x0]  }
0x2: {  	s7 =	rddreg [dreg:$0x1]  }
0x3: {  	s8 =	rddreg [dreg:$0x2]  }
0x4: {  	s9 =	rddreg [dreg:$0x3];
	s2 =	srdreg.scid  }
0x5: {  	s1 =	stileid.u32;
	s0 =	rddreg [dreg:$0x4]  }
0x6: {  	s13 =	simm.s32 $0x1;
	s14 =	simm.s32 $0x9D00;
	s15 =	simm.s32 $0x2  }
0x7: {  	s16 =	simm.s32 $0x0;
	s4 =	sand.u32 $0x1, s2;
	s5 =	sshll.u32 s1, $0x1  }
0x8: {  	s2 =	simm.s32 $0x0;
	s3 =	sadd.s32 $0x1000, s3;
	s5 =	sor.u32 s4, s5  }
0x9: {  	p0 =	sgt.u32 s1, $0x1;
	s6 =	ssub.s32 $0x2, s4;
	s10 =	smul.u32 $0x9C0, s5  }
0xa: {  	[smem:$0x7FF] =	sst s2;
	s29 =	sshrl.u32 s6, $0x1;
	s30 =	smul.u32 $0x4E0, s5  }
.Ltmp0:
0xb: {  	_ =	strace $0x80000047;
	s12 =	sor.u32 $0x9C0, s5;
	(pc) =	sbr.rel .LBB2_1-.Ltmp0, $4  }
0xc: {  	s11 =	ssub.s32 s6, s29;
	s31 =	sshll.u32 s12, $0x5;
	s12 =	sshll.u32 s12, $0x4  }
0xd: {  	s4 =	sadd.s32 s7, s10;
	s5 =	sadd.s32 s9, s10;
	s6 =	sadd.s32 s8, s30  }
0xe: {  	s7 =	sadd.s32 s7, s31;
	s8 =	sadd.s32 s8, s12;
	s9 =	sadd.s32 s9, s31  }
0xf: {  	s10 =	smax.u32 s11, $0x1;
	s11 =	simm.s32 $0x4F00;
	s12 =	simm.s32 $0x3  }
.LBB2_5:
0x10: {  	s16 =	sadd.s32 $0x1, s16  }
0x11: {  	p1 =	sne.s32 s16, s10  }
.Ltmp1:
0x12: {  	_ = 	snop;
	(pc) =	sbr.rel @!p1 .LBB2_6-.Ltmp1, $1  }
0x13: {  	_ =	sdelay $0x3  }
.LBB2_1:
0x14: {  	[tilespmem:s11], [sflag:$0x1] =	stream.linear.gather [hbm4b:s4+s2], $0x4E00, $0x38;
	[tilespmem:$0xC400] =	vst v63  }
0x15: {  	_ = 	snop  }
0x16: {  	[tilespmem:s2], [sflag:$0x3] =	stream.linear.gather [hbm4b:s3+s2], $0x4F00, $0x38;
	[tilespmem:$0xC400] =	vst v63  }
0x17: {  	_ =	swait.ge [sflag:s12], $0x4F00  }
0x18: {  	[sflag:s12] =	ssyncset.done $0x0  }
0x19: {  	[sflag:s12] =	ssyncadd.s32 $0xFFFFB100  }
0x1a: {  	_ =	swait.ge [sflag:s13], $0x4E00  }
0x1b: {  	[sflag:s13] =	ssyncset.done $0x0  }
0x1c: {  	s17 =	simm.s32 $0x5000;
	[sflag:s13] =	ssyncadd.s32 $0xFFFFB200  }
0x1d: {  	[hbm4b:s5+s2] =	stream.linear.scatter [tilespmem:s11], [sflag:$0x2], $0x4E00, $0x38;
	[tilespmem:$0xC400] =	vst v63  }
0x1e: {  	v0 =	vld [tilespmem:s17+$0x70]  }
0x1f: {  	v1 =	vld [tilespmem:s17+$0xF0]  }
0x20: {  	v2 =	vld [tilespmem:s17+$0xFFFFFF80]  }
0x21: {  	v5 =	vld [tilespmem:s17+$0xFFFFFFB0]  }
0x22: {  	v6 =	vld [tilespmem:s17+$0xFFFFFFC0]  }
0x23: {  	v9 =	vld [tilespmem:s17+$0xFFFFFFD0]  }
0x24: {  	v11 =	vld [tilespmem:s17+$0xFFFFFFE0]  }
0x25: {  	v12 =	vld [tilespmem:s17+$0xFFFFFFF0]  }
0x26: {  	v14 =	vld [tilespmem:s17+$0x80]  }
0x27: {  	v16 =	vld [tilespmem:s17+$0x90]  }
0x28: {  	v18 =	vld [tilespmem:s17+$0xA0]  }
0x29: {  	v22 =	vld [tilespmem:s17+$0xB0]  }
0x2a: {  	v24 =	vld [tilespmem:s17+$0xC0];
	v7 =	vand.u32 $0x7F, v0;
	v0 =	vshll.u32 v0, $0x1  }
0x2b: {  	v26 =	vld [tilespmem:s17+$0xD0];
	v8 =	vshll.u32 v1, $0x1;
	v1 =	vand.u32 $0x7F, v1;
	v10 =	vshll.u32 v2, $0x1  }
0x2c: {  	v27 =	vld [tilespmem:s17+$0xE0];
	v13 =	vshll.u32 v5, $0x1;
	v15 =	vshll.u32 v6, $0x1;
	v2 =	vand.u32 $0x7F, v2  }
0x2d: {  	v28 =	vld [tilespmem:s17+$0xFFFFFF10];
	v17 =	vshll.u32 v9, $0x1;
	v19 =	vshll.u32 v11, $0x1;
	v20 =	vshll.u32 v12, $0x1  }
0x2e: {  	v57 =	vld [tilespmem:s17+$0x50];
	v5 =	vand.u32 $0x7F, v5;
	v21 =	vshll.u32 v14, $0x1;
	v6 =	vand.u32 $0x7F, v6  }
0x2f: {  	v58 =	vld [tilespmem:s17+$0x60];
	v23 =	vshll.u32 v16, $0x1;
	v9 =	vand.u32 $0x7F, v9;
	v25 =	vshll.u32 v18, $0x1  }
0x30: {  	s31 =	simm.s32 $0x5200;
	v40 =	vld [tilespmem:s17+$0xFFFFFF00];
	v11 =	vand.u32 $0x7F, v11;
	v12 =	vand.u32 $0x7F, v12;
	v14 =	vand.u32 $0x7F, v14  }
0x31: {  	v48 =	vld [tilespmem:s31+$0xA0];
	v16 =	vand.u32 $0x7F, v16;
	v18 =	vand.u32 $0x7F, v18;
	v30 =	vand.u32 $0x7F, v22  }
0x32: {  	v22 =	vshll.u32 v22, $0x1;
	v31 =	vand.u32 $0x7F, v24;
	v24 =	vshll.u32 v24, $0x1  }
0x33: {  	v33 =	vshll.u32 v26, $0x1;
	v26 =	vand.u32 $0x7F, v26;
	v35 =	vshll.u32 v27, $0x1  }
0x34: {  	v36 =	vshll.u32 v28, $0x1;
	v27 =	vand.u32 $0x7F, v27;
	v43 =	vshll.u32 v57, $0x1  }
0x35: {  	v44 =	vshll.u32 v58, $0x1;
	v45 =	vshll.u32 v40, $0x1;
	v40 =	vand.u32 $0x7F, v40  }
0x36: {  	v3 =	vld [tilespmem:s17+$0xFFFFFF90];
	v28 =	vand.u32 $0x7F, v28;
	v55 =	vshll.u32 v48, $0x1;
	v0 =	vand.u32 $0xFFFFFF00, v0  }
0x37: {  	v39 =	vld [tilespmem:s17+$0x0];
	v8 =	vand.u32 $0xFFFFFF00, v8;
	v10 =	vand.u32 $0xFFFFFF00, v10;
	v13 =	vand.u32 $0xFFFFFF00, v13  }
0x38: {  	v4 =	vld [tilespmem:s17+$0xFFFFFFA0];
	v15 =	vand.u32 $0xFFFFFF00, v15;
	v17 =	vand.u32 $0xFFFFFF00, v17;
	v19 =	vand.u32 $0xFFFFFF00, v19  }
0x39: {  	v20 =	vand.u32 $0xFFFFFF00, v20;
	v21 =	vand.u32 $0xFFFFFF00, v21;
	v23 =	vand.u32 $0xFFFFFF00, v23  }
0x3a: {  	v29 =	vld [tilespmem:s17+$0xFFFFFF20];
	v25 =	vand.u32 $0xFFFFFF00, v25;
	v22 =	vand.u32 $0xFFFFFF00, v22;
	v24 =	vand.u32 $0xFFFFFF00, v24  }
0x3b: {  	v37 =	vld [tilespmem:s17+$0xFFFFFF60];
	v33 =	vand.u32 $0xFFFFFF00, v33;
	v35 =	vand.u32 $0xFFFFFF00, v35;
	v59 =	vand.u32 $0xFFFFFF00, v36  }
0x3c: {  	v38 =	vld [tilespmem:s17+$0xFFFFFF70];
	v62 =	vand.u32 $0xFFFFFF00, v45;
	v45 =	vand.u32 $0x7F, v39;
	v0 =	vor.u32 v7, v0  }
0x3d: {  	v1 =	vor.u32 v8, v1;
	v7 =	vshll.u32 v3, $0x1;
	v8 =	vshll.u32 v4, $0x1  }
0x3e: {  	v3 =	vand.u32 $0x7F, v3;
	v4 =	vand.u32 $0x7F, v4;
	v2 =	vor.u32 v10, v2  }
0x3f: {  	v10 =	vshll.u32 v29, $0x1;
	v6 =	vor.u32 v15, v6;
	v9 =	vor.u32 v17, v9  }
0x40: {  	v52 =	vld [tilespmem:s31+$0xB0];
	v17 =	vshll.u32 v37, $0x1;
	v11 =	vor.u32 v19, v11;
	v12 =	vor.u32 v20, v12  }
0x41: {  	v54 =	vld [tilespmem:s31+$0xC0];
	v19 =	vshll.u32 v38, $0x1;
	v14 =	vor.u32 v21, v14;
	v16 =	vor.u32 v23, v16  }
0x42: {  	v21 =	vshll.u32 v39, $0x1;
	v18 =	vor.u32 v25, v18;
	v22 =	vor.u32 v22, v30  }
0x43: {  	v24 =	vor.u32 v24, v31;
	v26 =	vor.u32 v33, v26;
	v27 =	vor.u32 v35, v27  }
0x44: {  	v40 =	vor.u32 v40, v62;
	v29 =	vand.u32 $0x7F, v29;
	v28 =	vor.u32 v28, v59  }
0x45: {  	v30 =	vand.u32 $0x7F, v57;
	v31 =	vand.u32 $0x7F, v58;
	v58 =	vand.u32 $0x7F, v52  }
0x46: {  	v32 =	vld [tilespmem:s17+$0xFFFFFF40];
	v59 =	vand.u32 $0x7F, v54;
	v1 =	vor.u32 $0x80, v1;
	v7 =	vand.u32 $0xFFFFFF00, v7  }
0x47: {  	v15 =	vld [tilespmem:s17+$0x20];
	v8 =	vand.u32 $0xFFFFFF00, v8;
	v2 =	vor.u32 $0x80, v2;
	v10 =	vand.u32 $0xFFFFFF00, v10  }
0x48: {  	v20 =	vld [tilespmem:s17+$0x30];
	v6 =	vor.u32 $0x80, v6;
	v9 =	vor.u32 $0x80, v9;
	v11 =	vor.u32 $0x80, v11  }
0x49: {  	v23 =	vld [tilespmem:s17+$0x40];
	v17 =	vand.u32 $0xFFFFFF00, v17;
	v12 =	vor.u32 $0x80, v12;
	v14 =	vor.u32 $0x80, v14  }
0x4a: {  	v34 =	vld [tilespmem:s17+$0xFFFFFF50];
	v19 =	vand.u32 $0xFFFFFF00, v19;
	v21 =	vand.u32 $0xFFFFFF00, v21;
	v16 =	vor.u32 $0x80, v16  }
0x4b: {  	v57 =	vld [tilespmem:s31+$0xE0];
	v18 =	vor.u32 $0x80, v18;
	v22 =	vor.u32 $0x80, v22;
	v21 =	vor.u32 v45, v21  }
0x4c: {  	v24 =	vor.u32 $0x80, v24;
	v26 =	vor.u32 $0x80, v26;
	v3 =	vor.u32 v7, v3;
	v0 =	vld.idx.msk [tilespmem:v0+s2+$0x0], $0xffff  }
0x4d: {  	v46 =	vor.u32 $0x80, v27;
	v10 =	vor.u32 v29, v10;
	v3 =	vor.u32 $0x80, v3;
	v1 =	vld.idx.msk [tilespmem:v1+s2+$0x0], $0xffff  }
0x4e: {  	v60 =	vshll.u32 v15, $0x1;
	v61 =	vshll.u32 v20, $0x1;
	v41 =	vshll.u32 v23, $0x1;
	v28 =	vld.idx.msk [tilespmem:v28+s2+$0x0], $0xffff  }
0x4f: {  	v15 =	vand.u32 $0x7F, v15;
	v20 =	vand.u32 $0x7F, v20;
	v23 =	vand.u32 $0x7F, v23;
	v14 =	vld.idx.msk [tilespmem:v14+s2+$0x0], $0xffff  }
0x50: {  	v33 =	vand.u32 $0x7F, v57;
	v63 =	vand.u32 $0xFFFFFF00, v41;
	v41 =	vand.u32 $0xFFFFFF00, v43;
	v21 =	vld.idx.msk [tilespmem:v21+s2+$0x0], $0xffff  }
0x51: {  	v36 =	vand.u32 $0xFFFFFF00, v60;
	v47 =	vor.u32 v30, v41;
	v30 =	vshll.u32 v54, $0x1;
	v54 =	vld [tilespmem:s31+$0xFFFFFF00]  }
0x52: {  	v35 =	vand.u32 $0xFFFFFF00, v61;
	v43 =	vand.u32 $0x7F, v38;
	v0 =	vadd.f32 v1, v0;
	v1 =	vld [tilespmem:s17+$0xFFFFFF30]  }
0x53: {  	v2 =	vld.idx.msk [tilespmem:v2+s2+$0x0], $0xffff;
	v61 =	vshll.u32 v57, $0x1;
	v19 =	vor.u32 v43, v19;
	v15 =	vor.u32 v15, v36  }
0x54: {  	v6 =	vld.idx.msk [tilespmem:v6+s2+$0x0], $0xffff;
	v20 =	vor.u32 v20, v35;
	v30 =	vand.u32 $0xFFFFFF00, v30;
	v0 =	vsub.f32 $0.0e+00, v0  }
0x55: {  	v9 =	vld.idx.msk [tilespmem:v9+s2+$0x0], $0xffff;
	v23 =	vor.u32 v23, v63;
	v41 =	vand.u32 $0xFFFFFF00, v61;
	v30 =	vor.u32 v30, v59  }
0x56: {  	v12 =	vld.idx.msk [tilespmem:v12+s2+$0x0], $0xffff;
	v33 =	vor.u32 v41, v33;
	v30 =	vor.u32 $0x80, v30;
	v0 =	vmul.f32 $1.442695020e+00, v0  }
0x57: {  	v3 =	vld.idx.msk [tilespmem:v3+s2+$0x0], $0xffff;
	v14 =	vadd.f32 v14, v21;
	v63 =	vshll.u32 v54, $0x1;
	v7 =	vshll.u32 v1, $0x1  }
0x58: {  	v19 =	vld.idx.msk [tilespmem:v19+s2+$0x0], $0xffff;
	v1 =	vand.u32 $0x7F, v1;
	(erf) = vpow2.f32 v0;
	v0 =	vor.u32 v8, v4  }
0x59: {  	v4 =	vor.u32 v13, v5;
	v8 =	vld [tilespmem:s17+$0x10];
	v7 =	vand.u32 $0xFFFFFF00, v7;
	v0 =	vor.u32 $0x80, v0  }
0x5a: {  	v5 =	vshll.u32 v32, $0x1;
	v4 =	vor.u32 $0x80, v4;
	v1 =	vor.u32 v1, v7;
	v7 =	vld.idx.msk [tilespmem:v22+s2+$0x0], $0xffff  }
0x5b: {  	v13 =	vshll.u32 v34, $0x1;
	v32 =	vand.u32 $0x7F, v32;
	v22 =	vand.u32 $0xFFFFFF00, v44;
	v44 =	vld.idx.msk [tilespmem:v40+s2+$0x0], $0xffff  }
0x5c: {  	v10 =	vld.idx.msk [tilespmem:v10+s2+$0x0], $0xffff;
	v34 =	vand.u32 $0x7F, v34;
	v5 =	vand.u32 $0xFFFFFF00, v5;
	v13 =	vand.u32 $0xFFFFFF00, v13  }
0x5d: {  	v3 =	vadd.f32 v3, v28;
	v5 =	vor.u32 v32, v5;
	v13 =	vor.u32 v34, v13;
	v34 =	vld [tilespmem:s31+$0xFFFFFF10]  }
0x5e: {  	v54 =	vand.u32 $0x7F, v54;
	v28 =	vshll.u32 v52, $0x1;
	v14 =	vsub.f32 $0.0e+00, v14;
	v0 =	vld.idx.msk [tilespmem:v0+s2+$0x0], $0xffff  }
0x5f: {  	v28 =	vand.u32 $0xFFFFFF00, v28;
	v3 =	vsub.f32 $0.0e+00, v3;
	v12 =	vadd.f32 v12, v19;
	v4 =	vld.idx.msk [tilespmem:v4+s2+$0x0], $0xffff  }
0x60: {  	v28 =	vor.u32 v28, v58;
	v56 =	vshll.u32 v8, $0x1;
	v1 =	vld.idx.msk [tilespmem:v1+s2+$0x0], $0xffff;
	v2 =	vadd.f32 v2, v44  }
0x61: {  	v28 =	vor.u32 $0x80, v28;
	v12 =	vsub.f32 $0.0e+00, v12;
	v25 =	vand.u32 $0xFFFFFF00, v56;
	v56 =	vld [tilespmem:s31+$0xD0]  }
0x62: {  	v3 =	vmul.f32 $1.442695020e+00, v3;
	v8 =	vand.u32 $0x7F, v8;
	v5 =	vld.idx.msk [tilespmem:v5+s2+$0x0], $0xffff;
	v2 =	vsub.f32 $0.0e+00, v2  }
0x63: {  	v12 =	vmul.f32 $1.442695020e+00, v12;
	v8 =	vor.u32 v8, v25;
	v13 =	vld.idx.msk [tilespmem:v13+s2+$0x0], $0xffff;
	v62 =	vshll.u32 v34, $0x1;
	v42 =	vpop (erf)  }
0x64: {  	v45 =	vld [tilespmem:s31+$0xFFFFFF70];
	v34 =	vand.u32 $0x7F, v34;
	v42 =	vadd.f32 $1.000000000e+00, v42;
	v2 =	vmul.f32 $1.442695020e+00, v2  }
0x65: {  	v16 =	vld.idx.msk [tilespmem:v16+s2+$0x0], $0xffff;
	v0 =	vadd.f32 v0, v10;
	v10 =	vor.u32 v31, v22;
	v1 =	vadd.f32 v4, v1  }
0x66: {  	v18 =	vld.idx.msk [tilespmem:v18+s2+$0x0], $0xffff;
	v31 =	vand.u32 $0xFFFFFF00, v55;
	v60 =	vshll.u32 v56, $0x1;
	v32 =	vand.u32 $0x7F, v56  }
0x67: {  	v22 =	vld [tilespmem:s31+$0x90];
	(erf) = vrcp.f32 v42;
	v42 =	vand.u32 $0x7F, v37;
	v5 =	vadd.f32 v6, v5  }
0x68: {  	v4 =	vld.idx.msk [tilespmem:v8+s2+$0x0], $0xffff;
	v8 =	vadd.f32 v9, v13;
	v39 =	vand.u32 $0xFFFFFF00, v60;
	v17 =	vor.u32 v42, v17  }
0x69: {  	v6 =	vld.idx.msk [tilespmem:v15+s2+$0x0], $0xffff;
	v0 =	vsub.f32 $0.0e+00, v0;
	v1 =	vsub.f32 $0.0e+00, v1;
	(erf) = vpow2.f32 v2  }
0x6a: {  	v13 =	vld.idx.msk [tilespmem:v20+s2+$0x0], $0xffff;
	v32 =	vor.u32 v39, v32;
	v42 =	vand.u32 $0xFFFFFF00, v62;
	v5 =	vsub.f32 $0.0e+00, v5  }
0x6b: {  	v20 =	vld [tilespmem:s31+$0x80];
	v8 =	vsub.f32 $0.0e+00, v8;
	(erf) = vpow2.f32 v3;
	v32 =	vor.u32 $0x80, v32  }
0x6c: {  	v37 =	vld [tilespmem:s31+$0x60];
	v34 =	vor.u32 v34, v42;
	v0 =	vmul.f32 $1.442695020e+00, v0;
	v1 =	vmul.f32 $1.442695020e+00, v1  }
0x6d: {  	v11 =	vld.idx.msk [tilespmem:v11+s2+$0x0], $0xffff;
	v5 =	vmul.f32 $1.442695020e+00, v5;
	v8 =	vmul.f32 $1.442695020e+00, v8;
	v53 =	vshll.u32 v22, $0x1  }
0x6e: {  	v24 =	vld.idx.msk [tilespmem:v24+s2+$0x0], $0xffff;
	v22 =	vand.u32 $0x7F, v22;
	v4 =	vadd.f32 v16, v4;
	v6 =	vadd.f32 v18, v6  }
0x6f: {  	v15 =	vld.idx.msk [tilespmem:v23+s2+$0x0], $0xffff;
	v2 =	vadd.f32 v7, v13;
	v7 =	vmul.f32 $1.442695020e+00, v14;
	(erf) = vpow2.f32 v0  }
0x70: {  	v51 =	vshll.u32 v20, $0x1;
	v29 =	vand.u32 $0xFFFFFF00, v53;
	v20 =	vand.u32 $0x7F, v20;
	v17 =	vld.idx.msk [tilespmem:v17+s2+$0x0], $0xffff  }
0x71: {  	v60 =	vshll.u32 v37, $0x1;
	v37 =	vand.u32 $0x7F, v37;
	(erf) = vpow2.f32 v1  }
0x72: {  	v27 =	vand.u32 $0xFFFFFF00, v51;
	v51 =	vshll.u32 v45, $0x1;
	v22 =	vor.u32 v29, v22  }
0x73: {  	v9 =	vld.idx.msk [tilespmem:v26+s2+$0x0], $0xffff;
	v60 =	vand.u32 $0xFFFFFF00, v60;
	v4 =	vsub.f32 $0.0e+00, v4;
	v3 =	vsub.f32 $0.0e+00, v6  }
0x74: {  	v16 =	vld.idx.msk [tilespmem:v47+s2+$0x0], $0xffff;
	v45 =	vand.u32 $0x7F, v45;
	v6 =	vadd.f32 v24, v15;
	v0 =	vsub.f32 $0.0e+00, v2  }
0x75: {  	v18 =	vld [tilespmem:s31+$0xFFFFFFF0];
	(erf) = vpow2.f32 v5;
	v24 =	vand.u32 $0x7F, v48;
	v11 =	vadd.f32 v11, v17  }
0x76: {  	v20 =	vor.u32 v27, v20;
	v1 =	vmul.f32 $1.442695020e+00, v3;
	v3 =	vsub.f32 $0.0e+00, v6;
	v6 =	vld [tilespmem:s31+$0xF0]  }
0x77: {  	v51 =	vand.u32 $0xFFFFFF00, v51;
	v22 =	vor.u32 $0x80, v22;
	v11 =	vsub.f32 $0.0e+00, v11  }
0x78: {  	v47 =	vld [tilespmem:s31+$0x0];
	(erf) = vpow2.f32 v8;
	v24 =	vor.u32 v31, v24;
	v20 =	vor.u32 $0x80, v20  }
0x79: {  	v13 =	vmul.f32 $1.442695020e+00, v4;
	v4 =	vadd.f32 v9, v16;
	v9 =	vld [tilespmem:s31+$0x70];
	v11 =	vmul.f32 $1.442695020e+00, v11  }
0x7a: {  	v2 =	vmul.f32 $1.442695020e+00, v0;
	v24 =	vor.u32 $0x80, v24;
	v50 =	vshll.u32 v18, $0x1  }
0x7b: {  	v18 =	vand.u32 $0x7F, v18;
	v14 =	vshll.u32 v6, $0x1;
	(erf) = vpow2.f32 v11  }
0x7c: {  	v43 =	vld [tilespmem:s31+$0xFFFFFF60];
	v6 =	vand.u32 $0x7F, v6;
	v14 =	vand.u32 $0xFFFFFF00, v14;
	(erf) = vpow2.f32 v12  }
0x7d: {  	v15 =	vld [tilespmem:s31+$0xFFFFFFD0];
	v52 =	vshll.u32 v47, $0x1;
	v6 =	vor.u32 v14, v6;
	(erf) = vpow2.f32 v7  }
0x7e: {  	v27 =	vld [tilespmem:s31+$0x40];
	(erf) = vpow2.f32 v13;
	v13 =	vand.u32 $0x7F, v9;
	v9 =	vshll.u32 v9, $0x1  }
0x7f: {  	v8 =	vld [tilespmem:s31+$0xFFFFFF80];
	v47 =	vand.u32 $0x7F, v47;
	v6 =	vor.u32 $0x80, v6;
	v9 =	vand.u32 $0xFFFFFF00, v9  }
0x80: {  	v31 =	vld [tilespmem:s31+$0x50];
	v3 =	vmul.f32 $1.442695020e+00, v3;
	v26 =	vand.u32 $0xFFFFFF00, v50;
	v9 =	vor.u32 v13, v9  }
0x81: {  	v35 =	vld [tilespmem:s31+$0xFFFFFF20];
	v50 =	vshll.u32 v43, $0x1;
	v52 =	vand.u32 $0xFFFFFF00, v52;
	v43 =	vand.u32 $0x7F, v43  }
0x82: {  	v10 =	vld.idx.msk [tilespmem:v10+s2+$0x0], $0xffff;
	v0 =	vsub.f32 $0.0e+00, v4;
	v23 =	vshll.u32 v15, $0x1;
	v15 =	vand.u32 $0x7F, v15  }
0x83: {  	v17 =	vld.idx.msk [tilespmem:v46+s2+$0x0], $0xffff;
	v18 =	vor.u32 v26, v18;
	v57 =	vshll.u32 v27, $0x1;
	v50 =	vand.u32 $0xFFFFFF00, v50  }
0x84: {  	v27 =	vand.u32 $0x7F, v27;
	v16 =	vshll.u32 v8, $0x1;
	v8 =	vand.u32 $0x7F, v8;
	v6 =	vld.idx.msk [tilespmem:v6+s2+$0x0], $0xffff  }
0x85: {  	v23 =	vand.u32 $0xFFFFFF00, v23;
	v59 =	vshll.u32 v31, $0x1;
	v57 =	vand.u32 $0xFFFFFF00, v57;
	v9 =	vld.idx.msk [tilespmem:v9+s2+$0x0], $0xffff  }
0x86: {  	v31 =	vand.u32 $0x7F, v31;
	v18 =	vor.u32 $0x80, v18;
	v4 =	vmul.f32 $1.442695020e+00, v0  }
0x87: {  	v16 =	vand.u32 $0xFFFFFF00, v16;
	v15 =	vor.u32 v23, v15;
	v23 =	vld [tilespmem:s31+$0x20];
	v59 =	vand.u32 $0xFFFFFF00, v59  }
0x88: {  	v27 =	vor.u32 v27, v57;
	v8 =	vor.u32 v16, v8;
	v5 =	vadd.f32 v17, v10;
	v10 =	vld [tilespmem:s31+$0xFFFFFF90]  }
0x89: {  	v16 =	vshll.u32 v35, $0x1;
	v35 =	vand.u32 $0x7F, v35;
	v15 =	vor.u32 $0x80, v15;
	v12 =	vld [tilespmem:s31+$0xFFFFFFA0]  }
0x8a: {  	v31 =	vor.u32 v31, v59;
	v16 =	vand.u32 $0xFFFFFF00, v16;
	v6 =	vadd.f32 v6, v9  }
0x8b: {  	v8 =	vor.u32 $0x80, v8;
	v16 =	vor.u32 v35, v16;
	v5 =	vsub.f32 $0.0e+00, v5  }
0x8c: {  	v17 =	vld [tilespmem:s31+$0xFFFFFFE0];
	v11 =	vpop (erf);
	v55 =	vshll.u32 v23, $0x1;
	v23 =	vand.u32 $0x7F, v23;
	v6 =	vsub.f32 $0.0e+00, v6  }
0x8d: {  	v7 =	vld [tilespmem:s31+$0xFFFFFFB0];
	v0 =	vadd.f32 $3.000000120e-01, v11;
	v13 =	vshll.u32 v10, $0x1;
	v10 =	vand.u32 $0x7F, v10  }
0x8e: {  	v38 =	vld [tilespmem:s31+$0xFFFFFF40];
	v14 =	vshll.u32 v12, $0x1;
	v13 =	vand.u32 $0xFFFFFF00, v13;
	v6 =	vmul.f32 $1.442695020e+00, v6  }
0x8f: {  	v40 =	vld [tilespmem:s31+$0xFFFFFF50];
	v12 =	vand.u32 $0x7F, v12;
	v14 =	vand.u32 $0xFFFFFF00, v14;
	v10 =	vor.u32 v13, v10  }
0x90: {  	v5 =	vmul.f32 $1.442695020e+00, v5;
	v11 =	vld [tilespmem:s31+$0xFFFFFFC0];
	v44 =	vpop (erf);
	v12 =	vor.u32 v14, v12;
	v10 =	vor.u32 $0x80, v10  }
0x91: {  	v34 =	vld.idx.msk [tilespmem:v34+s2+$0x0], $0xffff;
	v49 =	vshll.u32 v17, $0x1;
	v46 =	vpop (erf);
	v12 =	vor.u32 $0x80, v12;
	(erf) = vpow2.f32 v6  }
0x92: {  	v17 =	vand.u32 $0x7F, v17;
	v25 =	vand.u32 $0xFFFFFF00, v49;
	v16 =	vld.idx.msk [tilespmem:v16+s2+$0x0], $0xffff;
	v19 =	vshll.u32 v7, $0x1;
	v6 =	vpop (erf)  }
0x93: {  	v17 =	vor.u32 v25, v17;
	v25 =	vld [tilespmem:s31+$0x30];
	v7 =	vand.u32 $0x7F, v7;
	v19 =	vand.u32 $0xFFFFFF00, v19;
	v48 =	vpop (erf)  }
0x94: {  	v55 =	vand.u32 $0xFFFFFF00, v55;
	v17 =	vor.u32 $0x80, v17;
	v7 =	vor.u32 v19, v7;
	v19 =	vld [tilespmem:s31+$0x10];
	v49 =	vpop (erf)  }
0x95: {  	v21 =	vshll.u32 v11, $0x1;
	v11 =	vand.u32 $0x7F, v11;
	v14 =	vshll.u32 v38, $0x1;
	v10 =	vld.idx.msk [tilespmem:v10+s2+$0x0], $0xffff;
	v26 =	vpop (erf)  }
0x96: {  	v38 =	vand.u32 $0x7F, v38;
	v21 =	vand.u32 $0xFFFFFF00, v21;
	v14 =	vand.u32 $0xFFFFFF00, v14;
	v12 =	vld.idx.msk [tilespmem:v12+s2+$0x0], $0xffff;
	v29 =	vpop (erf)  }
0x97: {  	v11 =	vor.u32 v21, v11;
	v21 =	vshll.u32 v40, $0x1;
	v40 =	vand.u32 $0x7F, v40;
	v9 =	vld [tilespmem:s31+$0xFFFFFF30];
	v36 =	vpop (erf)  }
0x98: {  	v7 =	vor.u32 $0x80, v7;
	v56 =	vshll.u32 v25, $0x1;
	v21 =	vand.u32 $0xFFFFFF00, v21;
	v39 =	vpop (erf)  }
0x99: {  	v25 =	vand.u32 $0x7F, v25;
	v11 =	vor.u32 $0x80, v11;
	v56 =	vand.u32 $0xFFFFFF00, v56;
	v41 =	vpop (erf)  }
0x9a: {  	v53 =	vshll.u32 v19, $0x1;
	v19 =	vand.u32 $0x7F, v19;
	v10 =	vadd.f32 v10, v34;
	v58 =	vpop (erf)  }
0x9b: {  	v20 =	vld.idx.msk [tilespmem:v20+s2+$0x0], $0xffff;
	v53 =	vand.u32 $0xFFFFFF00, v53;
	v12 =	vadd.f32 v12, v16;
	v58 =	vadd.f32 $1.000000000e+00, v58  }
0x9c: {  	v24 =	vld.idx.msk [tilespmem:v24+s2+$0x0], $0xffff;
	v13 =	vshll.u32 v9, $0x1;
	v9 =	vand.u32 $0x7F, v9;
	v10 =	vsub.f32 $0.0e+00, v10  }
0x9d: {  	v15 =	vld.idx.msk [tilespmem:v15+s2+$0x0], $0xffff;
	v13 =	vand.u32 $0xFFFFFF00, v13;
	v12 =	vsub.f32 $0.0e+00, v12;
	(erf) = vrcp.f32 v58  }
0x9e: {  	v61 =	vld.idx.msk [tilespmem:v8+s2+$0x0], $0xffff;
	v6 =	vadd.f32 $1.000000000e+00, v6;
	v58 =	vand.u32 $0xFFFFFF00, v63;
	(erf) = vpow2.f32 v1  }
0x9f: {  	v7 =	vld.idx.msk [tilespmem:v7+s2+$0x0], $0xffff;
	v54 =	vor.u32 v54, v58;
	v1 =	vor.u32 $0x80, v33;
	(erf) = vpow2.f32 v2  }
0xa0: {  	v2 =	vor.u32 v9, v13;
	v9 =	vor.u32 v38, v14;
	v13 =	vld.idx.msk [tilespmem:v17+s2+$0x0], $0xffff;
	v14 =	vadd.f32 $1.000000000e+00, v44  }
0xa1: {  	v17 =	vld.idx.msk [tilespmem:v18+s2+$0x0], $0xffff;
	v18 =	vadd.f32 $1.000000000e+00, v46;
	v44 =	vadd.f32 $1.000000000e+00, v29;
	(erf) = vpow2.f32 v3  }
0xa2: {  	v11 =	vld.idx.msk [tilespmem:v11+s2+$0x0], $0xffff;
	v46 =	vadd.f32 $1.000000000e+00, v36;
	v3 =	vor.u32 v40, v21;
	(erf) = vpow2.f32 v4  }
0xa3: {  	v21 =	vld.idx.msk [tilespmem:v22+s2+$0x0], $0xffff;
	v22 =	vadd.f32 $1.000000000e+00, v48;
	v4 =	vor.u32 v43, v50;
	(erf) = vpow2.f32 v5  }
0xa4: {  	v43 =	vld.idx.msk [tilespmem:v30+s2+$0x0], $0xffff;
	v50 =	vor.u32 v37, v60;
	v5 =	vor.u32 v45, v51;
	(erf) = vrcp.f32 v14  }
0xa5: {  	(erf) = vrcp.f32 v18;
	v18 =	vor.u32 v19, v53;
	v19 =	vadd.f32 $1.000000000e+00, v49;
	v2 =	vld.idx.msk [tilespmem:v2+s2+$0x0], $0xffff  }
0xa6: {  	v9 =	vld.idx.msk [tilespmem:v9+s2+$0x0], $0xffff;
	(erf) = vrcp.f32 v6;
	v6 =	vor.u32 v23, v55;
	v23 =	vadd.f32 $1.000000000e+00, v26  }
0xa7: {  	v60 =	vmul.f32 $1.442695020e+00, v10;
	v14 =	vor.u32 v47, v52;
	v3 =	vld.idx.msk [tilespmem:v3+s2+$0x0], $0xffff;
	(erf) = vrcp.f32 v22  }
0xa8: {  	v45 =	vld.idx.msk [tilespmem:v32+s2+$0x0], $0xffff;
	v51 =	vadd.f32 $1.000000000e+00, v41;
	v8 =	vpop (erf);
	v22 =	vor.u32 v25, v56;
	(erf) = vrcp.f32 v19  }
0xa9: {  	v47 =	vadd.f32 $1.000000000e+00, v39;
	v4 =	vld.idx.msk [tilespmem:v4+s2+$0x0], $0xffff;
	v8 =	vadd.f32 $3.000000120e-01, v8;
	v19 =	vpop (erf);
	(erf) = vrcp.f32 v23  }
0xaa: {  	v48 =	vld.idx.msk [tilespmem:v54+s2+$0x0], $0xffff;
	v23 =	vpop (erf);
	(erf) = vrcp.f32 v44;
	v19 =	vadd.f32 $1.000000000e+00, v19;
	v2 =	vadd.f32 v7, v2  }
0xab: {  	v5 =	vld.idx.msk [tilespmem:v5+s2+$0x0], $0xffff;
	v9 =	vadd.f32 v11, v9;
	v49 =	vpop (erf);
	(erf) = vrcp.f32 v46;
	v23 =	vadd.f32 $1.000000000e+00, v23  }
0xac: {  	v14 =	vld.idx.msk [tilespmem:v14+s2+$0x0], $0xffff;
	v3 =	vadd.f32 v15, v3;
	v52 =	vpop (erf);
	(erf) = vrcp.f32 v47;
	v25 =	vadd.f32 $1.000000000e+00, v49  }
0xad: {  	v2 =	vsub.f32 $0.0e+00, v2;
	v10 =	vld.idx.msk [tilespmem:v22+s2+$0x0], $0xffff;
	v22 =	vmul.f32 $1.442695020e+00, v12;
	v9 =	vsub.f32 $0.0e+00, v9;
	v53 =	vpop (erf)  }
0xae: {  	v1 =	vld.idx.msk [tilespmem:v1+s2+$0x0], $0xffff;
	v4 =	vadd.f32 v13, v4;
	v30 =	vadd.f32 $1.000000000e+00, v52;
	v54 =	vpop (erf);
	(erf) = vrcp.f32 v51  }
0xaf: {  	v7 =	vld.idx.msk [tilespmem:v18+s2+$0x0], $0xffff;
	v32 =	vadd.f32 $1.000000000e+00, v53;
	v62 =	vmul.f32 $1.442695020e+00, v2;
	v2 =	vsub.f32 $0.0e+00, v3  }
0xb0: {  	v6 =	vld.idx.msk [tilespmem:v6+s2+$0x0], $0xffff;
	v3 =	vadd.f32 v17, v5;
	v15 =	vmul.f32 $1.442695020e+00, v9;
	v4 =	vsub.f32 $0.0e+00, v4  }
0xb1: {  	v13 =	vld.idx.msk [tilespmem:v50+s2+$0x0], $0xffff;
	v9 =	vadd.f32 v20, v14;
	v55 =	vadd.f32 $3.000000120e-01, v54;
	v56 =	vpop (erf);
	(erf) = vrcp.f32 v19  }
0xb2: {  	v28 =	vld.idx.msk [tilespmem:v28+s2+$0x0], $0xffff;
	v19 =	vadd.f32 v61, v48;
	v57 =	vadd.f32 $3.000000120e-01, v56;
	v58 =	vpop (erf);
	(erf) = vrcp.f32 v23  }
0xb3: {  	v11 =	vld.idx.msk [tilespmem:v27+s2+$0x0], $0xffff;
	v16 =	vmul.f32 $1.442695020e+00, v2;
	v2 =	vsub.f32 $0.0e+00, v3;
	(erf) = vrcp.f32 v25;
	v61 =	vpop (erf)  }
0xb4: {  	v12 =	vld.idx.msk [tilespmem:v31+s2+$0x0], $0xffff;
	v3 =	vadd.f32 v21, v7;
	v17 =	vmul.f32 $1.442695020e+00, v4;
	(erf) = vrcp.f32 v30;
	v63 =	vpop (erf)  }
0xb5: {  	v4 =	vsub.f32 $0.0e+00, v9;
	v19 =	vsub.f32 $0.0e+00, v19;
	(erf) = vrcp.f32 v32;
	v5 =	vpop (erf)  }
0xb6: {  	v14 =	vadd.f32 v24, v6;
	v13 =	vadd.f32 v1, v13;
	v18 =	vmul.f32 $1.442695020e+00, v2;
	v7 =	vpop (erf)  }
0xb7: {  	v2 =	vsub.f32 $0.0e+00, v3;
	v3 =	vadd.f32 v28, v10;
	v59 =	vmul.f32 $1.442695020e+00, v19;
	v6 =	vpop (erf)  }
0xb8: {  	v19 =	vmul.f32 $1.442695020e+00, v4;
	v4 =	vsub.f32 $0.0e+00, v14;
	v14 =	vadd.f32 v43, v11;
	v9 =	vpop (erf)  }
0xb9: {  	s18 =	simm.s32 $0x9D80;
	v20 =	vmul.f32 $1.442695020e+00, v2;
	v2 =	vsub.f32 $0.0e+00, v3;
	v3 =	vadd.f32 v45, v12;
	v10 =	vpop (erf)  }
0xba: {  	s17 =	simm.s32 $0x9E80;
	[tilespmem:s18+$0x70] =	vst v0;
	v23 =	vadd.f32 $3.000000120e-01, v58;
	v0 =	vmul.f32 $1.442695020e+00, v4;
	v4 =	vsub.f32 $0.0e+00, v14;
	v11 =	vpop (erf)  }
0xbb: {  	[tilespmem:s17+$0x70] =	vst v8;
	(erf) = vpow2.f32 v59;
	v1 =	vmul.f32 $1.442695020e+00, v2;
	v3 =	vsub.f32 $0.0e+00, v3;
	v8 =	vpop (erf)  }
0xbc: {  	[tilespmem:s18+$0xFFFFFF80] =	vst v55;
	(erf) = vpow2.f32 v60;
	v2 =	vmul.f32 $1.442695020e+00, v4;
	v4 =	vsub.f32 $0.0e+00, v13;
	v12 =	vpop (erf)  }
0xbd: {  	[tilespmem:s18+$0xFFFFFF90] =	vst v57;
	(erf) = vpow2.f32 v22;
	v22 =	vadd.f32 $3.000000120e-01, v61;
	v3 =	vmul.f32 $1.442695020e+00, v3;
	v13 =	vpop (erf)  }
0xbe: {  	s19 =	simm.s32 $0x100;
	s20 =	simm.s32 $0x5400;
	[tilespmem:s18+$0xFFFFFFA0] =	vst v23;
	v21 =	vadd.f32 $3.000000120e-01, v63;
	v4 =	vmul.f32 $1.442695020e+00, v4;
	v14 =	vpop (erf);
	(erf) = vpow2.f32 v62  }
.LBB2_2:
0xbf: {  	v23 =	vld [tilespmem:s20+$0x70];
	(erf) = vpow2.f32 v15;
	[tilespmem:s18+$0xFFFFFFB0] =	vst v22;
	v5 =	vadd.f32 $3.000000120e-01, v5;
	v7 =	vadd.f32 $3.000000120e-01, v7  }
0xc0: {  	s19 =	sadd.s32 $0x100, s19;
	v6 =	vadd.f32 $3.000000120e-01, v6;
	v9 =	vadd.f32 $3.000000120e-01, v9;
	v15 =	vld [tilespmem:s20+$0xF0];
	(erf) = vpow2.f32 v16;
	[tilespmem:s18+$0xFFFFFFC0] =	vst v21  }
0xc1: {  	v10 =	vadd.f32 $3.000000120e-01, v10;
	v11 =	vadd.f32 $3.000000120e-01, v11;
	p1 =	slt.u32 s19, $0x2600;
	v16 =	vld [tilespmem:s20+$0xFFFFFF80];
	(erf) = vpow2.f32 v17;
	[tilespmem:s18+$0xFFFFFFD0] =	vst v5  }
0xc2: {  	v12 =	vadd.f32 $3.000000120e-01, v12;
	v17 =	vld [tilespmem:s20+$0xFFFFFF90];
	(erf) = vpow2.f32 v18;
	[tilespmem:s18+$0xFFFFFFE0] =	vst v7;
	v18 =	vadd.f32 $3.000000120e-01, v8  }
0xc3: {  	v13 =	vadd.f32 $3.000000120e-01, v13;
	v14 =	vadd.f32 $3.000000120e-01, v14;
	v21 =	vld [tilespmem:s20+$0xFFFFFFA0];
	(erf) = vpow2.f32 v19;
	[tilespmem:s18+$0xFFFFFFF0] =	vst v6  }
0xc4: {  	v19 =	vld [tilespmem:s20+$0xFFFFFFB0];
	v5 =	vpop (erf);
	(erf) = vpow2.f32 v20;
	[tilespmem:s18+$0x0] =	vst v9  }
0xc5: {  	v25 =	vand.u32 $0x7F, v23;
	v23 =	vshll.u32 v23, $0x1;
	v20 =	vld [tilespmem:s20+$0xFFFFFFC0];
	v9 =	vshll.u32 v15, $0x1;
	v6 =	vpop (erf);
	[tilespmem:s18+$0x10] =	vst v10  }
0xc6: {  	v10 =	vand.u32 $0xFFFFFF00, v23;
	v15 =	vand.u32 $0x7F, v15;
	v22 =	vld [tilespmem:s20+$0xFFFFFFD0];
	v27 =	vand.u32 $0xFFFFFF00, v9;
	v7 =	vpop (erf);
	[tilespmem:s18+$0x20] =	vst v11  }
0xc7: {  	v11 =	vshll.u32 v16, $0x1;
	v24 =	vor.u32 v25, v10;
	v23 =	vld [tilespmem:s20+$0xFFFFFFE0];
	v26 =	vor.u32 v27, v15;
	v8 =	vpop (erf);
	[tilespmem:s18+$0x30] =	vst v18  }
0xc8: {  	v29 =	vshll.u32 v17, $0x1;
	v15 =	vshll.u32 v21, $0x1;
	v18 =	vld [tilespmem:s20+$0xFFFFFFF0];
	v25 =	vor.u32 $0x80, v26;
	v9 =	vpop (erf);
	[tilespmem:s18+$0x40] =	vst v12  }
0xc9: {  	v26 =	vand.u32 $0xFFFFFF00, v11;
	v27 =	vand.u32 $0xFFFFFF00, v29;
	v31 =	vshll.u32 v19, $0x1;
	v28 =	vld [tilespmem:s20+$0x80];
	v10 =	vpop (erf);
	[tilespmem:s18+$0x50] =	vst v13  }
0xca: {  	v15 =	vand.u32 $0xFFFFFF00, v15;
	v29 =	vand.u32 $0xFFFFFF00, v31;
	v33 =	vshll.u32 v20, $0x1;
	v30 =	vld [tilespmem:s20+$0x90];
	v11 =	vpop (erf);
	[tilespmem:s18+$0x60] =	vst v14;
	s18 =	smov.u32 s17  }
0xcb: {  	v16 =	vand.u32 $0x7F, v16;
	v31 =	vand.u32 $0xFFFFFF00, v33;
	v34 =	vshll.u32 v22, $0x1;
	v32 =	vld [tilespmem:s20+$0xA0];
	v12 =	vpop (erf)  }
0xcc: {  	v17 =	vand.u32 $0x7F, v17;
	v33 =	vand.u32 $0xFFFFFF00, v34;
	v36 =	vshll.u32 v23, $0x1;
	v24 =	vld.idx.msk [tilespmem:v24+s2+$0x0], $0xffff;
	v13 =	vpop (erf)  }
0xcd: {  	v21 =	vand.u32 $0x7F, v21;
	v34 =	vand.u32 $0xFFFFFF00, v36;
	v35 =	vshll.u32 v18, $0x1;
	v25 =	vld.idx.msk [tilespmem:v25+s2+$0x0], $0xffff;
	v14 =	vpop (erf)  }
0xce: {  	v19 =	vand.u32 $0x7F, v19;
	v35 =	vand.u32 $0xFFFFFF00, v35;
	v36 =	vshll.u32 v28, $0x1;
	v37 =	vld [tilespmem:s20+$0xB0]  }
0xcf: {  	v20 =	vand.u32 $0x7F, v20;
	v36 =	vand.u32 $0xFFFFFF00, v36;
	v38 =	vshll.u32 v30, $0x1;
	v39 =	vld [tilespmem:s20+$0xC0]  }
0xd0: {  	v22 =	vand.u32 $0x7F, v22;
	v38 =	vand.u32 $0xFFFFFF00, v38;
	v40 =	vshll.u32 v32, $0x1;
	v41 =	vld [tilespmem:s20+$0xD0]  }
0xd1: {  	v23 =	vand.u32 $0x7F, v23;
	v18 =	vand.u32 $0x7F, v18;
	v40 =	vand.u32 $0xFFFFFF00, v40;
	v42 =	vld [tilespmem:s20+$0xE0]  }
0xd2: {  	v28 =	vand.u32 $0x7F, v28;
	v30 =	vand.u32 $0x7F, v30;
	v32 =	vand.u32 $0x7F, v32;
	v43 =	vld [tilespmem:s20+$0xFFFFFF10]  }
0xd3: {  	v24 =	vadd.f32 v25, v24;
	v44 =	vld [tilespmem:s20+$0xFFFFFF20];
	v45 =	vand.u32 $0x7F, v37;
	v37 =	vshll.u32 v37, $0x1  }
0xd4: {  	v25 =	vld [tilespmem:s20+$0xFFFFFF30];
	v37 =	vand.u32 $0xFFFFFF00, v37;
	v46 =	vand.u32 $0x7F, v39;
	v39 =	vshll.u32 v39, $0x1  }
0xd5: {  	v24 =	vsub.f32 $0.0e+00, v24;
	v47 =	vld [tilespmem:s20+$0xFFFFFF40];
	v39 =	vand.u32 $0xFFFFFF00, v39;
	v48 =	vshll.u32 v41, $0x1  }
0xd6: {  	v41 =	vand.u32 $0x7F, v41;
	v49 =	vld [tilespmem:s20+$0xFFFFFF50];
	v48 =	vand.u32 $0xFFFFFF00, v48;
	v50 =	vshll.u32 v42, $0x1  }
0xd7: {  	v24 =	vmul.f32 $1.442695020e+00, v24;
	v51 =	vshll.u32 v43, $0x1;
	v52 =	vld [tilespmem:s20+$0xFFFFFF60];
	v50 =	vand.u32 $0xFFFFFF00, v50  }
0xd8: {  	v16 =	vor.u32 v26, v16;
	v42 =	vand.u32 $0x7F, v42;
	v26 =	vshll.u32 v44, $0x1;
	v53 =	vld [tilespmem:s20+$0xFFFFFF70]  }
0xd9: {  	v17 =	vor.u32 v27, v17;
	v27 =	vshll.u32 v25, $0x1;
	v54 =	vld [tilespmem:s20+$0x0];
	(erf) = vpow2.f32 v24  }
0xda: {  	v15 =	vor.u32 v15, v21;
	v19 =	vor.u32 v29, v19;
	v21 =	vshll.u32 v47, $0x1;
	v24 =	vld [tilespmem:s20+$0x10]  }
0xdb: {  	v20 =	vor.u32 v31, v20;
	v22 =	vor.u32 v33, v22;
	v29 =	vshll.u32 v49, $0x1;
	v31 =	vld [tilespmem:s20+$0x20]  }
0xdc: {  	v23 =	vor.u32 v34, v23;
	v18 =	vor.u32 v35, v18;
	v33 =	vshll.u32 v52, $0x1;
	v34 =	vld [tilespmem:s20+$0x30]  }
0xdd: {  	v28 =	vor.u32 v36, v28;
	v30 =	vor.u32 v38, v30;
	v35 =	vshll.u32 v53, $0x1;
	v36 =	vld [tilespmem:s20+$0x40]  }
0xde: {  	v32 =	vor.u32 v40, v32;
	v37 =	vor.u32 v37, v45;
	v38 =	vshll.u32 v54, $0x1;
	v40 =	vld [tilespmem:s20+$0x50]  }
0xdf: {  	v39 =	vor.u32 v39, v46;
	v41 =	vor.u32 v48, v41;
	v45 =	vshll.u32 v24, $0x1;
	v46 =	vld [tilespmem:s20+$0x60]  }
0xe0: {  	v51 =	vand.u32 $0xFFFFFF00, v51;
	v42 =	vor.u32 v50, v42;
	v48 =	vld [tilespmem:s20+$0xFFFFFF00];
	v55 =	vshll.u32 v31, $0x1  }
0xe1: {  	v26 =	vand.u32 $0xFFFFFF00, v26;
	v27 =	vand.u32 $0xFFFFFF00, v27;
	v50 =	vshll.u32 v34, $0x1  }
0xe2: {  	v21 =	vand.u32 $0xFFFFFF00, v21;
	v29 =	vand.u32 $0xFFFFFF00, v29;
	v56 =	vshll.u32 v36, $0x1;
	v57 =	vpop (erf)  }
0xe3: {  	v33 =	vand.u32 $0xFFFFFF00, v33;
	v58 =	vshll.u32 v40, $0x1;
	v57 =	vadd.f32 $1.000000000e+00, v57  }
0xe4: {  	v35 =	vand.u32 $0xFFFFFF00, v35;
	v38 =	vand.u32 $0xFFFFFF00, v38;
	v59 =	vshll.u32 v46, $0x1  }
0xe5: {  	v45 =	vand.u32 $0xFFFFFF00, v45;
	v60 =	vshll.u32 v48, $0x1;
	(erf) = vrcp.f32 v57  }
0xe6: {  	v55 =	vand.u32 $0xFFFFFF00, v55;
	v50 =	vand.u32 $0xFFFFFF00, v50;
	v57 =	vand.u32 $0xFFFFFF00, v60  }
0xe7: {  	v56 =	vand.u32 $0xFFFFFF00, v56;
	v58 =	vand.u32 $0xFFFFFF00, v58;
	v59 =	vand.u32 $0xFFFFFF00, v59  }
0xe8: {  	v43 =	vand.u32 $0x7F, v43;
	v44 =	vand.u32 $0x7F, v44;
	v48 =	vand.u32 $0x7F, v48  }
0xe9: {  	v25 =	vand.u32 $0x7F, v25;
	v47 =	vand.u32 $0x7F, v47;
	v49 =	vand.u32 $0x7F, v49  }
0xea: {  	v52 =	vand.u32 $0x7F, v52;
	v53 =	vand.u32 $0x7F, v53;
	v54 =	vand.u32 $0x7F, v54  }
0xeb: {  	v24 =	vand.u32 $0x7F, v24;
	v31 =	vand.u32 $0x7F, v31;
	v34 =	vand.u32 $0x7F, v34  }
0xec: {  	v36 =	vand.u32 $0x7F, v36;
	v40 =	vand.u32 $0x7F, v40;
	v46 =	vand.u32 $0x7F, v46  }
0xed: {  	v16 =	vor.u32 $0x80, v16;
	v17 =	vor.u32 $0x80, v17;
	v15 =	vor.u32 $0x80, v15  }
0xee: {  	v19 =	vor.u32 $0x80, v19;
	v20 =	vor.u32 $0x80, v20;
	v22 =	vor.u32 $0x80, v22;
	v60 =	vpop (erf)  }
0xef: {  	v23 =	vor.u32 $0x80, v23;
	v18 =	vor.u32 $0x80, v18;
	v60 =	vadd.f32 $3.000000120e-01, v60  }
0xf0: {  	s17 =	sadd.s32 $0x100, s17;
	v28 =	vor.u32 $0x80, v28;
	v30 =	vor.u32 $0x80, v30;
	v32 =	vor.u32 $0x80, v32  }
0xf1: {  	v37 =	vor.u32 $0x80, v37;
	v39 =	vor.u32 $0x80, v39;
	v41 =	vor.u32 $0x80, v41;
	[tilespmem:s17+$0x70] =	vst v60  }
0xf2: {  	v43 =	vor.u32 v43, v51;
	v42 =	vor.u32 $0x80, v42;
	v48 =	vor.u32 v48, v57;
	v16 =	vld.idx.msk [tilespmem:v16+s2+$0x0], $0xffff  }
0xf3: {  	v26 =	vor.u32 v44, v26;
	v25 =	vor.u32 v25, v27;
	v21 =	vor.u32 v47, v21;
	v17 =	vld.idx.msk [tilespmem:v17+s2+$0x0], $0xffff  }
0xf4: {  	v27 =	vor.u32 v49, v29;
	v29 =	vor.u32 v52, v33;
	v33 =	vor.u32 v53, v35;
	v15 =	vld.idx.msk [tilespmem:v15+s2+$0x0], $0xffff  }
0xf5: {  	v35 =	vor.u32 v54, v38;
	v24 =	vor.u32 v24, v45;
	v31 =	vor.u32 v31, v55;
	v19 =	vld.idx.msk [tilespmem:v19+s2+$0x0], $0xffff  }
0xf6: {  	v34 =	vor.u32 v34, v50;
	v36 =	vor.u32 v36, v56;
	v38 =	vor.u32 v40, v58;
	v20 =	vld.idx.msk [tilespmem:v20+s2+$0x0], $0xffff  }
0xf7: {  	v5 =	vadd.f32 $1.000000000e+00, v5;
	v40 =	vor.u32 v46, v59;
	v22 =	vld.idx.msk [tilespmem:v22+s2+$0x0], $0xffff;
	(erf) = vpow2.f32 v0  }
0xf8: {  	v6 =	vadd.f32 $1.000000000e+00, v6;
	v7 =	vadd.f32 $1.000000000e+00, v7;
	v0 =	vld.idx.msk [tilespmem:v23+s2+$0x0], $0xffff;
	(erf) = vpow2.f32 v1  }
0xf9: {  	v8 =	vadd.f32 $1.000000000e+00, v8;
	v9 =	vadd.f32 $1.000000000e+00, v9;
	v1 =	vld.idx.msk [tilespmem:v18+s2+$0x0], $0xffff;
	(erf) = vpow2.f32 v2  }
0xfa: {  	v10 =	vadd.f32 $1.000000000e+00, v10;
	v11 =	vadd.f32 $1.000000000e+00, v11;
	v2 =	vld.idx.msk [tilespmem:v28+s2+$0x0], $0xffff;
	(erf) = vpow2.f32 v3  }
0xfb: {  	v12 =	vadd.f32 $1.000000000e+00, v12;
	v13 =	vadd.f32 $1.000000000e+00, v13;
	v3 =	vld.idx.msk [tilespmem:v30+s2+$0x0], $0xffff;
	(erf) = vpow2.f32 v4  }
0xfc: {  	v14 =	vadd.f32 $1.000000000e+00, v14;
	v4 =	vld.idx.msk [tilespmem:v32+s2+$0x0], $0xffff;
	(erf) = vrcp.f32 v5  }
0xfd: {  	v23 =	vld.idx.msk [tilespmem:v37+s2+$0x0], $0xffff;
	(erf) = vrcp.f32 v6  }
0xfe: {  	v28 =	vld.idx.msk [tilespmem:v39+s2+$0x0], $0xffff;
	(erf) = vrcp.f32 v7  }
0xff: {  	v30 =	vld.idx.msk [tilespmem:v41+s2+$0x0], $0xffff;
	(erf) = vrcp.f32 v8  }
0x100: {  	v32 =	vld.idx.msk [tilespmem:v42+s2+$0x0], $0xffff;
	(erf) = vrcp.f32 v9;
	v5 =	vpop (erf)  }
0x101: {  	v6 =	vld.idx.msk [tilespmem:v48+s2+$0x0], $0xffff;
	v5 =	vadd.f32 $1.000000000e+00, v5;
	(erf) = vrcp.f32 v10;
	v7 =	vpop (erf)  }
0x102: {  	v8 =	vld.idx.msk [tilespmem:v43+s2+$0x0], $0xffff;
	v7 =	vadd.f32 $1.000000000e+00, v7;
	(erf) = vrcp.f32 v11;
	v9 =	vpop (erf)  }
0x103: {  	v10 =	vld.idx.msk [tilespmem:v26+s2+$0x0], $0xffff;
	v9 =	vadd.f32 $1.000000000e+00, v9;
	(erf) = vrcp.f32 v12;
	v11 =	vpop (erf)  }
0x104: {  	v12 =	vld.idx.msk [tilespmem:v25+s2+$0x0], $0xffff;
	v11 =	vadd.f32 $1.000000000e+00, v11;
	(erf) = vrcp.f32 v13;
	v13 =	vpop (erf)  }
0x105: {  	v18 =	vld.idx.msk [tilespmem:v21+s2+$0x0], $0xffff;
	v13 =	vadd.f32 $1.000000000e+00, v13;
	v21 =	vpop (erf);
	(erf) = vrcp.f32 v14  }
0x106: {  	v14 =	vld.idx.msk [tilespmem:v27+s2+$0x0], $0xffff;
	v37 =	vadd.f32 $3.000000120e-01, v21;
	v25 =	vpop (erf);
	(erf) = vrcp.f32 v5  }
0x107: {  	v27 =	vadd.f32 v16, v6;
	v16 =	vld.idx.msk [tilespmem:v29+s2+$0x0], $0xffff;
	v6 =	vadd.f32 $3.000000120e-01, v25;
	v25 =	vpop (erf);
	(erf) = vrcp.f32 v7  }
0x108: {  	v29 =	vadd.f32 v17, v8;
	v8 =	vld.idx.msk [tilespmem:v33+s2+$0x0], $0xffff;
	[tilespmem:s18+$0xFFFFFF80] =	vst v37;
	v17 =	vadd.f32 $3.000000120e-01, v25;
	v21 =	vpop (erf);
	(erf) = vrcp.f32 v9  }
0x109: {  	v9 =	vsub.f32 $0.0e+00, v27;
	v10 =	vadd.f32 v15, v10;
	v25 =	vld.idx.msk [tilespmem:v35+s2+$0x0], $0xffff;
	[tilespmem:s18+$0xFFFFFF90] =	vst v6;
	v26 =	vpop (erf);
	(erf) = vrcp.f32 v11  }
0x10a: {  	v15 =	vsub.f32 $0.0e+00, v29;
	v11 =	vadd.f32 v19, v12;
	v12 =	vld.idx.msk [tilespmem:v24+s2+$0x0], $0xffff;
	[tilespmem:s18+$0xFFFFFFA0] =	vst v17;
	v5 =	vpop (erf);
	(erf) = vrcp.f32 v13  }
0x10b: {  	v24 =	vmul.f32 $1.442695020e+00, v9;
	v17 =	vsub.f32 $0.0e+00, v10;
	v18 =	vadd.f32 v20, v18;
	v13 =	vld.idx.msk [tilespmem:v31+s2+$0x0], $0xffff;
	v7 =	vpop (erf)  }
0x10c: {  	v27 =	vmul.f32 $1.442695020e+00, v15;
	v33 =	vsub.f32 $0.0e+00, v11;
	v14 =	vadd.f32 v22, v14;
	v19 =	vld.idx.msk [tilespmem:v34+s2+$0x0], $0xffff;
	v6 =	vpop (erf)  }
0x10d: {  	v22 =	vmul.f32 $1.442695020e+00, v17;
	v15 =	vsub.f32 $0.0e+00, v18;
	v0 =	vadd.f32 v0, v16;
	v20 =	vld.idx.msk [tilespmem:v36+s2+$0x0], $0xffff;
	v9 =	vpop (erf)  }
0x10e: {  	v29 =	vmul.f32 $1.442695020e+00, v33;
	v14 =	vsub.f32 $0.0e+00, v14;
	v1 =	vadd.f32 v1, v8;
	v31 =	vld.idx.msk [tilespmem:v38+s2+$0x0], $0xffff;
	v10 =	vpop (erf)  }
0x10f: {  	v15 =	vmul.f32 $1.442695020e+00, v15;
	v0 =	vsub.f32 $0.0e+00, v0;
	v2 =	vadd.f32 v2, v25;
	v25 =	vld.idx.msk [tilespmem:v40+s2+$0x0], $0xffff;
	v11 =	vpop (erf)  }
0x110: {  	v16 =	vmul.f32 $1.442695020e+00, v14;
	v1 =	vsub.f32 $0.0e+00, v1;
	v3 =	vadd.f32 v3, v12;
	v8 =	vpop (erf)  }
0x111: {  	v17 =	vmul.f32 $1.442695020e+00, v0;
	v0 =	vsub.f32 $0.0e+00, v2;
	v2 =	vadd.f32 v4, v13;
	v12 =	vpop (erf)  }
0x112: {  	v18 =	vmul.f32 $1.442695020e+00, v1;
	v1 =	vsub.f32 $0.0e+00, v3;
	v3 =	vadd.f32 v23, v19;
	v13 =	vpop (erf)  }
0x113: {  	v19 =	vmul.f32 $1.442695020e+00, v0;
	v0 =	vsub.f32 $0.0e+00, v2;
	v2 =	vadd.f32 v28, v20;
	v14 =	vpop (erf)  }
0x114: {  	v20 =	vmul.f32 $1.442695020e+00, v1;
	v1 =	vsub.f32 $0.0e+00, v3;
	v3 =	vadd.f32 v30, v31  }
.Ltmp2:
0x115: {  	v0 =	vmul.f32 $1.442695020e+00, v0;
	v2 =	vsub.f32 $0.0e+00, v2;
	v4 =	vadd.f32 v32, v25;
	(pc) =	sbr.rel @p1 .LBB2_2-.Ltmp2, $4  }
0x116: {  	v1 =	vmul.f32 $1.442695020e+00, v1;
	v3 =	vsub.f32 $0.0e+00, v3;
	(erf) = vpow2.f32 v24  }
0x117: {  	v2 =	vmul.f32 $1.442695020e+00, v2;
	v4 =	vsub.f32 $0.0e+00, v4;
	(erf) = vpow2.f32 v27  }
0x118: {  	v3 =	vmul.f32 $1.442695020e+00, v3;
	(erf) = vpow2.f32 v22;
	v22 =	vadd.f32 $3.000000120e-01, v21  }
0x119: {  	s20 =	sadd.s32 $0x200, s20;
	v4 =	vmul.f32 $1.442695020e+00, v4;
	v21 =	vadd.f32 $3.000000120e-01, v26;
	(erf) = vpow2.f32 v29  }
0x11a: {  	(erf) = vpow2.f32 v15  }
0x11b: {  	(erf) = vpow2.f32 v16  }
0x11c: {  	(erf) = vpow2.f32 v17  }
0x11d: {  	(erf) = vpow2.f32 v18  }
0x11e: {  	(erf) = vpow2.f32 v19  }
0x11f: {  	v61 =	vpop (erf);
	(erf) = vpow2.f32 v20  }
0x120: {  	v62 =	vpop (erf);
	(erf) = vpow2.f32 v0  }
0x121: {  	v63 =	vpop (erf);
	(erf) = vpow2.f32 v1  }
0x122: {  	v20 =	vpop (erf);
	(erf) = vpow2.f32 v2  }
0x123: {  	v15 =	vadd.f32 $1.000000000e+00, v61;
	v23 =	vpop (erf);
	(erf) = vpow2.f32 v3  }
0x124: {  	v16 =	vadd.f32 $1.000000000e+00, v62;
	v24 =	vpop (erf);
	(erf) = vpow2.f32 v4  }
0x125: {  	[tilespmem:s18+$0xFFFFFFB0] =	vst v22;
	v25 =	vadd.f32 $3.000000120e-01, v5;
	v0 =	vadd.f32 $1.000000000e+00, v63;
	v26 =	vpop (erf);
	(erf) = vrcp.f32 v15  }
0x126: {  	v7 =	vadd.f32 $3.000000120e-01, v7;
	[tilespmem:s18+$0xFFFFFFC0] =	vst v21;
	v1 =	vadd.f32 $1.000000000e+00, v20;
	v27 =	vpop (erf);
	(erf) = vrcp.f32 v16  }
0x127: {  	v6 =	vadd.f32 $3.000000120e-01, v6;
	[tilespmem:s18+$0xFFFFFFD0] =	vst v25;
	v2 =	vadd.f32 $1.000000000e+00, v23;
	v28 =	vpop (erf);
	(erf) = vrcp.f32 v0  }
0x128: {  	v29 =	vadd.f32 $3.000000120e-01, v9;
	[tilespmem:s18+$0xFFFFFFE0] =	vst v7;
	v3 =	vadd.f32 $1.000000000e+00, v24;
	v30 =	vpop (erf);
	(erf) = vrcp.f32 v1  }
0x129: {  	v31 =	vadd.f32 $3.000000120e-01, v10;
	[tilespmem:s18+$0xFFFFFFF0] =	vst v6;
	v5 =	vadd.f32 $1.000000000e+00, v26;
	(erf) = vrcp.f32 v2;
	v32 =	vpop (erf)  }
0x12a: {  	v33 =	vadd.f32 $3.000000120e-01, v11;
	[tilespmem:s18+$0x0] =	vst v29;
	v34 =	vadd.f32 $1.000000000e+00, v27;
	(erf) = vrcp.f32 v3;
	v35 =	vpop (erf)  }
0x12b: {  	v8 =	vadd.f32 $3.000000120e-01, v8;
	[tilespmem:s18+$0x10] =	vst v31;
	v36 =	vadd.f32 $1.000000000e+00, v28;
	(erf) = vrcp.f32 v5;
	v37 =	vpop (erf)  }
0x12c: {  	v38 =	vadd.f32 $3.000000120e-01, v12;
	[tilespmem:s18+$0x20] =	vst v33;
	v39 =	vadd.f32 $1.000000000e+00, v30;
	(erf) = vrcp.f32 v34;
	v40 =	vpop (erf)  }
0x12d: {  	v41 =	vadd.f32 $3.000000120e-01, v13;
	[tilespmem:s18+$0x30] =	vst v8;
	v2 =	vadd.f32 $1.000000000e+00, v32;
	(erf) = vrcp.f32 v36;
	v42 =	vpop (erf)  }
0x12e: {  	v43 =	vadd.f32 $3.000000120e-01, v14;
	[tilespmem:s18+$0x40] =	vst v38;
	v3 =	vadd.f32 $1.000000000e+00, v35;
	v44 =	vpop (erf);
	(erf) = vrcp.f32 v39  }
0x12f: {  	[tilespmem:s18+$0x50] =	vst v41;
	v4 =	vadd.f32 $1.000000000e+00, v37;
	v5 =	vadd.f32 $3.000000120e-01, v44;
	v45 =	vpop (erf);
	(erf) = vrcp.f32 v2  }
0x130: {  	[tilespmem:s18+$0x60] =	vst v43;
	v0 =	vadd.f32 $1.000000000e+00, v40;
	v46 =	vadd.f32 $3.000000120e-01, v45;
	v47 =	vpop (erf);
	(erf) = vrcp.f32 v3  }
0x131: {  	v1 =	vadd.f32 $1.000000000e+00, v42;
	[tilespmem:s17+$0xFFFFFF80] =	vst v5;
	v48 =	vadd.f32 $3.000000120e-01, v47;
	v49 =	vpop (erf);
	(erf) = vrcp.f32 v4  }
0x132: {  	[tilespmem:s17+$0xFFFFFF90] =	vst v46;
	v50 =	vpop (erf);
	(erf) = vrcp.f32 v0;
	v51 =	vadd.f32 $3.000000120e-01, v49  }
0x133: {  	[tilespmem:s17+$0xFFFFFFA0] =	vst v48;
	v52 =	vpop (erf);
	(erf) = vrcp.f32 v1;
	v53 =	vadd.f32 $3.000000120e-01, v50  }
0x134: {  	v54 =	vpop (erf);
	[tilespmem:s17+$0xFFFFFFB0] =	vst v51;
	v55 =	vadd.f32 $3.000000120e-01, v52  }
0x135: {  	v56 =	vpop (erf);
	v2 =	vadd.f32 $3.000000120e-01, v54;
	[tilespmem:s17+$0xFFFFFFC0] =	vst v53  }
0x136: {  	v57 =	vpop (erf);
	v3 =	vadd.f32 $3.000000120e-01, v56;
	[tilespmem:s17+$0xFFFFFFD0] =	vst v55  }
0x137: {  	v58 =	vpop (erf);
	v1 =	vadd.f32 $3.000000120e-01, v57;
	[tilespmem:s17+$0xFFFFFFE0] =	vst v2  }
0x138: {  	v59 =	vpop (erf);
	v0 =	vadd.f32 $3.000000120e-01, v58;
	[tilespmem:s17+$0xFFFFFFF0] =	vst v3  }
0x139: {  	v60 =	vpop (erf);
	v2 =	vadd.f32 $3.000000120e-01, v59;
	[tilespmem:s17+$0x0] =	vst v1  }
0x13a: {  	v61 =	vpop (erf);
	v3 =	vadd.f32 $3.000000120e-01, v60;
	[tilespmem:s17+$0x10] =	vst v0  }
0x13b: {  	v62 =	vpop (erf);
	v1 =	vadd.f32 $3.000000120e-01, v61;
	[tilespmem:s17+$0x20] =	vst v2  }
0x13c: {  	v63 =	vpop (erf);
	v0 =	vadd.f32 $3.000000120e-01, v62;
	[tilespmem:s17+$0x30] =	vst v3  }
0x13d: {  	v2 =	vadd.f32 $3.000000120e-01, v63;
	[tilespmem:s17+$0x40] =	vst v1  }
0x13e: {  	[tilespmem:s17+$0x50] =	vst v0  }
0x13f: {  	[tilespmem:s17+$0x60] =	vst v2  }
0x140: {  	[hbm4b:s6+s2] =	stream.linear.scatter [tilespmem:s14], [sflag:$0x3], $0x2700, $0x38;
	[tilespmem:$0xC400] =	vst v63  }
0x141: {  	_ =	swait.ge [sflag:s12], $0x2700  }
.Ltmp3:
0x142: {  	[sflag:s12] =	ssyncset.done $0x0;
	(pc) =	sbr.rel @p0 .LBB2_5-.Ltmp3, $4  }
0x143: {  	[sflag:s12] =	ssyncadd.s32 $0xFFFFD900  }
0x144: {  	_ =	swait.ge [sflag:s15], $0x4E00  }
0x145: {  	[sflag:s15] =	ssyncset.done $0x0  }
0x146: {  	[sflag:s15] =	ssyncadd.s32 $0xFFFFB200  }
0x147: {  	[tilespmem:s11], [sflag:$0x3] =	stream.linear.gather [hbm4b:s7+s2], $0x100, $0x38;
	[tilespmem:$0xC400] =	vst v63  }
0x148: {  	_ =	swait.ge [sflag:s12], $0x100  }
0x149: {  	[sflag:s12] =	ssyncset.done $0x0  }
0x14a: {  	[sflag:s12] =	ssyncadd.s32 $0xFFFFFF00  }
0x14b: {  	v0 =	vld [tilespmem:$0x4F00]  }
0x14c: {  	v1 =	vld [tilespmem:$0x4F80];
	_ =	sdelay $0x4  }
0x14d: {  	v2 =	vand.u32 $0x7F, v0;
	v0 =	vshll.u32 v0, $0x1;
	v3 =	vshll.u32 v1, $0x1  }
0x14e: {  	v1 =	vand.u32 $0x7F, v1;
	v0 =	vand.u32 $0xFFFFFF00, v0;
	v3 =	vand.u32 $0xFFFFFF00, v3  }
0x14f: {  	v0 =	vor.u32 v2, v0;
	v1 =	vor.u32 v3, v1  }
0x150: {  	v1 =	vor.u32 $0x80, v1;
	_ =	sdelay $0x1  }
0x151: {  	v10 =	vld [tilespmem:$0x4F10]  }
0x152: {  	v11 =	vld [tilespmem:$0x4F90]  }
0x153: {  	v0 =	vld.idx.msk [tilespmem:v0+s2+$0x0], $0xffff  }
0x154: {  	v1 =	vld.idx.msk [tilespmem:v1+s2+$0x0], $0xffff;
	_ =	sdelay $0x3  }
0x155: {  	v12 =	vand.u32 $0x7F, v10  }
0x156: {  	v4 =	vshll.u32 v11, $0x1;
	v2 =	vshll.u32 v10, $0x1;
	v0 =	vadd.f32 v1, v0  }
0x157: {  	v4 =	vand.u32 $0xFFFFFF00, v4;
	v3 =	vand.u32 $0x7F, v11;
	v2 =	vand.u32 $0xFFFFFF00, v2  }
0x158: {  	v13 =	vor.u32 v4, v3;
	v1 =	vor.u32 v12, v2;
	v0 =	vsub.f32 $0.0e+00, v0  }
0x159: {  	v2 =	vor.u32 $0x80, v13  }
0x15a: {  	v0 =	vmul.f32 $1.442695020e+00, v0  }
0x15b: {  	v14 =	vld [tilespmem:$0x4F20]  }
0x15c: {  	v15 =	vld [tilespmem:$0x4FA0];
	(erf) = vpow2.f32 v0  }
0x15d: {  	v1 =	vld.idx.msk [tilespmem:v1+s2+$0x0], $0xffff  }
0x15e: {  	v2 =	vld.idx.msk [tilespmem:v2+s2+$0x0], $0xffff;
	_ =	sdelay $0x3  }
0x15f: {  	v16 =	vand.u32 $0x7F, v14  }
0x160: {  	v5 =	vshll.u32 v15, $0x1;
	v3 =	vshll.u32 v14, $0x1;
	v1 =	vadd.f32 v2, v1  }
0x161: {  	v5 =	vand.u32 $0xFFFFFF00, v5;
	v3 =	vand.u32 $0xFFFFFF00, v3;
	v0 =	vand.u32 $0x7F, v15  }
0x162: {  	v17 =	vor.u32 v16, v3;
	v0 =	vor.u32 v5, v0;
	v1 =	vsub.f32 $0.0e+00, v1;
	v18 =	vpop (erf)  }
0x163: {  	v0 =	vor.u32 $0x80, v0;
	v3 =	vadd.f32 $1.000000000e+00, v18  }
0x164: {  	v1 =	vmul.f32 $1.442695020e+00, v1  }
0x165: {  	(erf) = vrcp.f32 v3  }
0x166: {  	v20 =	vld [tilespmem:$0x4FB0];
	(erf) = vpow2.f32 v1  }
0x167: {  	v2 =	vld.idx.msk [tilespmem:v17+s2+$0x0], $0xffff  }
0x168: {  	v0 =	vld.idx.msk [tilespmem:v0+s2+$0x0], $0xffff  }
0x169: {  	v19 =	vld [tilespmem:$0x4F30];
	_ =	sdelay $0x2  }
0x16a: {  	v22 =	vshll.u32 v20, $0x1  }
0x16b: {  	v4 =	vand.u32 $0xFFFFFF00, v22;
	v0 =	vadd.f32 v0, v2;
	v3 =	vand.u32 $0x7F, v20  }
0x16c: {  	v21 =	vand.u32 $0x7F, v19;
	v1 =	vshll.u32 v19, $0x1;
	v24 =	vor.u32 v4, v3;
	v23 =	vpop (erf)  }
0x16d: {  	v1 =	vand.u32 $0xFFFFFF00, v1;
	v0 =	vsub.f32 $0.0e+00, v0;
	v2 =	vor.u32 $0x80, v24;
	v6 =	vpop (erf)  }
0x16e: {  	v1 =	vor.u32 v21, v1;
	v25 =	vadd.f32 $1.000000000e+00, v6  }
0x16f: {  	v0 =	vmul.f32 $1.442695020e+00, v0  }
0x170: {  	v26 =	vld [tilespmem:$0x4F40];
	(erf) = vrcp.f32 v25  }
0x171: {  	v27 =	vld [tilespmem:$0x4FC0];
	(erf) = vpow2.f32 v0  }
0x172: {  	v2 =	vld.idx.msk [tilespmem:v2+s2+$0x0], $0xffff  }
0x173: {  	v1 =	vld.idx.msk [tilespmem:v1+s2+$0x0], $0xffff;
	_ =	sdelay $0x3  }
0x174: {  	v28 =	vand.u32 $0x7F, v26  }
0x175: {  	v29 =	vshll.u32 v27, $0x1;
	v3 =	vshll.u32 v26, $0x1;
	v1 =	vadd.f32 v2, v1  }
0x176: {  	v3 =	vand.u32 $0xFFFFFF00, v3;
	v6 =	vand.u32 $0xFFFFFF00, v29;
	v0 =	vand.u32 $0x7F, v27;
	v31 =	vpop (erf)  }
0x177: {  	v30 =	vor.u32 v28, v3;
	v0 =	vor.u32 v6, v0;
	v1 =	vsub.f32 $0.0e+00, v1;
	v32 =	vpop (erf)  }
0x178: {  	v0 =	vor.u32 $0x80, v0;
	v4 =	vadd.f32 $1.000000000e+00, v32  }
0x179: {  	v1 =	vmul.f32 $1.442695020e+00, v1  }
0x17a: {  	(erf) = vrcp.f32 v4  }
0x17b: {  	v34 =	vld [tilespmem:$0x4FD0];
	(erf) = vpow2.f32 v1  }
0x17c: {  	v2 =	vld.idx.msk [tilespmem:v30+s2+$0x0], $0xffff  }
0x17d: {  	v0 =	vld.idx.msk [tilespmem:v0+s2+$0x0], $0xffff  }
0x17e: {  	v33 =	vld [tilespmem:$0x4F50];
	_ =	sdelay $0x2  }
0x17f: {  	v36 =	vshll.u32 v34, $0x1  }
0x180: {  	v6 =	vand.u32 $0xFFFFFF00, v36;
	v0 =	vadd.f32 v0, v2;
	v4 =	vand.u32 $0x7F, v34  }
0x181: {  	v35 =	vand.u32 $0x7F, v33;
	v1 =	vshll.u32 v33, $0x1;
	v37 =	vor.u32 v6, v4;
	v7 =	vpop (erf)  }
0x182: {  	v1 =	vand.u32 $0xFFFFFF00, v1;
	v0 =	vsub.f32 $0.0e+00, v0;
	v2 =	vor.u32 $0x80, v37;
	v8 =	vpop (erf)  }
0x183: {  	v1 =	vor.u32 v35, v1;
	v38 =	vadd.f32 $1.000000000e+00, v8  }
0x184: {  	v0 =	vmul.f32 $1.442695020e+00, v0  }
0x185: {  	v39 =	vld [tilespmem:$0x4F60];
	(erf) = vrcp.f32 v38  }
0x186: {  	v40 =	vld [tilespmem:$0x4FE0];
	(erf) = vpow2.f32 v0  }
0x187: {  	v2 =	vld.idx.msk [tilespmem:v2+s2+$0x0], $0xffff  }
0x188: {  	v1 =	vld.idx.msk [tilespmem:v1+s2+$0x0], $0xffff;
	_ =	sdelay $0x3  }
0x189: {  	v41 =	vand.u32 $0x7F, v39  }
0x18a: {  	v42 =	vshll.u32 v40, $0x1;
	v4 =	vshll.u32 v39, $0x1;
	v1 =	vadd.f32 v2, v1  }
0x18b: {  	v4 =	vand.u32 $0xFFFFFF00, v4;
	v8 =	vand.u32 $0xFFFFFF00, v42;
	v0 =	vand.u32 $0x7F, v40;
	v44 =	vpop (erf)  }
0x18c: {  	v43 =	vor.u32 v41, v4;
	v0 =	vor.u32 v8, v0;
	v1 =	vsub.f32 $0.0e+00, v1;
	v45 =	vpop (erf)  }
0x18d: {  	v0 =	vor.u32 $0x80, v0;
	v6 =	vadd.f32 $1.000000000e+00, v45  }
0x18e: {  	v1 =	vmul.f32 $1.442695020e+00, v1  }
0x18f: {  	(erf) = vrcp.f32 v6  }
0x190: {  	v47 =	vld [tilespmem:$0x4FF0];
	(erf) = vpow2.f32 v1  }
0x191: {  	v2 =	vld.idx.msk [tilespmem:v43+s2+$0x0], $0xffff  }
0x192: {  	v0 =	vld.idx.msk [tilespmem:v0+s2+$0x0], $0xffff  }
0x193: {  	v46 =	vld [tilespmem:$0x4F70];
	_ =	sdelay $0x2  }
0x194: {  	v49 =	vshll.u32 v47, $0x1  }
0x195: {  	v8 =	vand.u32 $0xFFFFFF00, v49;
	v0 =	vadd.f32 v0, v2;
	v6 =	vand.u32 $0x7F, v47  }
0x196: {  	v48 =	vand.u32 $0x7F, v46;
	v1 =	vshll.u32 v46, $0x1;
	v50 =	vor.u32 v8, v6;
	v9 =	vpop (erf)  }
0x197: {  	v1 =	vand.u32 $0xFFFFFF00, v1;
	v0 =	vsub.f32 $0.0e+00, v0;
	v2 =	vor.u32 $0x80, v50;
	v51 =	vpop (erf)  }
0x198: {  	v1 =	vor.u32 v48, v1;
	v6 =	vadd.f32 $1.000000000e+00, v51  }
0x199: {  	v0 =	vmul.f32 $1.442695020e+00, v0  }
0x19a: {  	(erf) = vrcp.f32 v6  }
0x19b: {  	(erf) = vpow2.f32 v0  }
0x19c: {  	v53 =	vld.idx.msk [tilespmem:v2+s2+$0x0], $0xffff  }
0x19d: {  	v52 =	vld.idx.msk [tilespmem:v1+s2+$0x0], $0xffff;
	_ =	sdelay $0x4  }
0x19e: {  	v0 =	vadd.f32 v53, v52  }
0x19f: {  	v54 =	vpop (erf)  }
0x1a0: {  	v0 =	vsub.f32 $0.0e+00, v0;
	v55 =	vpop (erf)  }
0x1a1: {  	v2 =	vadd.f32 $1.000000000e+00, v55  }
0x1a2: {  	v0 =	vmul.f32 $1.442695020e+00, v0  }
0x1a3: {  	(erf) = vrcp.f32 v2  }
0x1a4: {  	(erf) = vpow2.f32 v0;
	_ =	sdelay $0x7  }
0x1a5: {  	v56 =	vpop (erf)  }
0x1a6: {  	v57 =	vpop (erf)  }
0x1a7: {  	v2 =	vadd.f32 $1.000000000e+00, v57;
	_ =	sdelay $0x1  }
0x1a8: {  	(erf) = vrcp.f32 v2;
	_ =	sdelay $0x2  }
0x1a9: {  	v58 =	vadd.f32 $3.000000120e-01, v23  }
0x1aa: {  	v3 =	vadd.f32 $3.000000120e-01, v31  }
0x1ab: {  	[tilespmem:$0x9D00] =	vst v58;
	v59 =	vadd.f32 $3.000000120e-01, v7  }
0x1ac: {  	[tilespmem:$0x9D10] =	vst v3;
	v60 =	vadd.f32 $3.000000120e-01, v44  }
0x1ad: {  	[tilespmem:$0x9D20] =	vst v59;
	v61 =	vadd.f32 $3.000000120e-01, v9  }
0x1ae: {  	[tilespmem:$0x9D30] =	vst v60;
	v1 =	vadd.f32 $3.000000120e-01, v54  }
0x1af: {  	[tilespmem:$0x9D40] =	vst v61;
	v0 =	vadd.f32 $3.000000120e-01, v56;
	v62 =	vpop (erf)  }
0x1b0: {  	[tilespmem:$0x9D50] =	vst v1;
	v63 =	vadd.f32 $3.000000120e-01, v62  }
0x1b1: {  	[tilespmem:$0x9D60] =	vst v0  }
0x1b2: {  	[tilespmem:$0x9D70] =	vst v63  }
0x1b3: {  	[hbm4b:s8+s2] =	stream.linear.scatter [tilespmem:s14], [sflag:$0x3], $0x80, $0x38;
	[tilespmem:$0xC400] =	vst v63  }
0x1b4: {  	_ =	swait.ge [sflag:s12], $0x80  }
0x1b5: {  	[sflag:s12] =	ssyncset.done $0x0  }
.Ltmp4:
0x1b6: {  	[sflag:s12] =	ssyncadd.s32 $0xFFFFFF80;
	(pc) =	sbr.rel .LBB2_5-.Ltmp4, $4  }
0x1b7: {  	[hbm4b:s9+s2] =	stream.linear.scatter [tilespmem:s11], [sflag:$0x3], $0x100, $0x38;
	[tilespmem:$0xC400] =	vst v63  }
0x1b8: {  	_ =	swait.ge [sflag:s12], $0x100  }
0x1b9: {  	[sflag:s12] =	ssyncset.done $0x0  }
0x1ba: {  	[sflag:s12] =	ssyncadd.s32 $0xFFFFFF00  }
.LBB2_6:
0x1bb: {  	_ =	sfence.sel $0x180000  }
0x1bc: {  	[bflag:$0x0] =	sbarrier.arrive $0xFFFF  }
0x1bd: {  	p0 =	sne.s32 s1, $0x0;
	_ =	strace $0x90000047  }
0x1be: {  	s0 =	sadd.s32 @!p0 $0x100000, s0;
	[bflag:$0x2] =	sbarrier.arrive $0xFFFF  }
0x1bf: {  	[sflag:s0] =	ssyncadd.tile.s32 @!p0 $0x1;
	_ =	shalt  }
.Lfunc_end2:
_tile_overlayer_lowered:
.L_overlay_start_2:
0x1c0: {  	(tag) =	ssettag $0x2  }
0x1c1: {  	s0 =	rddreg [dreg:$0x0];
	s2 =	stileid.u32  }
0x1c2: {  	s1 =	rddreg [dreg:$0x1];
	p0 =	sne.s32 s2, $0x0  }
0x1c3: {  	s3 =	rddreg [dreg:$0x2];
	[bflag:$0x3] =	sbarrier.arrive $0xFFFF;
	s2 =	simm.s32 @!p0 $0x1C03  }
0x1c4: {  	[timem:s3], [sflag:s2] =	dma.local @!p0 [hbm:s0], s1  }
0x1c5: {  	s0 =	simm.s32 @!p0 $0x3  }
0x1c6: {  	_ =	swait.ge @!p0 [sflag:s0], s1  }
0x1c7: {  	s1 =	ssub.s32 @!p0 $0x0, s1;
	[sflag:s0] =	ssyncset.done @!p0 $0x0  }
0x1c8: {  	[sflag:s0] =	ssyncadd.s32 @!p0 s1  }
0x1c9: {  	[bflag:$0x3] =	sbarrier.arrive $0xFFFF  }
0x1ca: {  	_ =	shalt  }

</sc_bundles>
